<compile_context>
chip_gen: v7x
topology: tpu7x:2x2x1
jax: 0.10.2.dev20260603
libtpu: 0.0.44.dev20260713+nightly
codegen_flags: <defaults>
</compile_context>

<pallas_src>
import math

import jax
import jax.numpy as jnp
from jax import lax
from jax.experimental import pallas as pl
from jax.experimental.pallas import tpu as pltpu
from jax.experimental.pallas import tpu_sc as plsc

D_MODEL = 768
HALF = D_MODEL // 2
B, N = 64, 1024
TOTAL = B * N
GRID = int(math.sqrt(N)) + 1
NVAL = GRID + 1
CSTRIDE = 64
TPAD = HALF + 1

IDX_SUB, IDX_LANE = 512, 128

NW = 32
ROWS_PER_W = TOTAL // NW
CHUNK = 32
CHUNKS_PER_W = ROWS_PER_W // CHUNK


def _tc_body(xs_ref, ys_ref, row_ref, col_ref, idx_ref, rt_ref, ct_ref):
    xs = xs_ref[...]
    ys = ys_ref[...]
    m = jnp.maximum(jnp.max(xs), jnp.max(ys))
    r = jnp.clip(((ys / m) * float(GRID)).astype(jnp.int32), 0, NVAL - 1)
    c = jnp.clip(((xs / m) * float(GRID)).astype(jnp.int32), 0, NVAL - 1)
    idx_ref[...] = r * CSTRIDE + c
    rt_ref[:, :HALF] = row_ref[...]
    ct_ref[:, :HALF] = col_ref[...]
    rt_ref[:, HALF:] = jnp.zeros((NVAL, 1), jnp.float32)
    ct_ref[:, HALF:] = jnp.zeros((NVAL, 1), jnp.float32)


def _tc_index_and_tables(xs, ys, row34, col34):
    return pl.pallas_call(
        _tc_body,
        out_shape=(
            jax.ShapeDtypeStruct((IDX_SUB, IDX_LANE), jnp.int32),
            jax.ShapeDtypeStruct((NVAL, TPAD), jnp.float32),
            jax.ShapeDtypeStruct((NVAL, TPAD), jnp.float32),
        ),
    )(xs, ys, row34, col34)


def _sc_body(rt_hbm, ct_hbm, idx_hbm, out_hbm,
             idx_vf, rt, ct, bc0, bc1, psem, sc0, sc1):
    wid = lax.axis_index("s") * 2 + lax.axis_index("c")
    cp0 = pltpu.async_copy(
        idx_hbm.at[pl.ds(wid * ROWS_PER_W, ROWS_PER_W)], idx_vf, psem)
    cp1 = pltpu.async_copy(rt_hbm, rt, psem)
    cp2 = pltpu.async_copy(ct_hbm, ct, psem)
    out_base = wid * ROWS_PER_W

    def wstart(k, buf, sem):
        return pltpu.async_copy(
            buf, out_hbm.at[pl.ds(out_base + k * CHUNK, CHUNK)], sem)

    def wwait(buf, sem):
        pltpu.make_async_copy(
            buf, out_hbm.at[pl.ds(out_base, CHUNK)], sem).wait()

    lane_dn = lax.GatherDimensionNumbers(
        offset_dims=(), collapsed_slice_dims=(0,), start_index_map=(0,))

    def lane_splat(x, l):
        return lax.gather(x, jnp.full((16, 1), l, jnp.int32), lane_dn, (1,),
                          mode=lax.GatherScatterMode.PROMISE_IN_BOUNDS)

    def construct(j, buf):
        base = j * CHUNK
        for g in range(CHUNK // 16):
            iv = idx_vf[pl.ds(base + 16 * g, 16)]
            rvec = lax.shift_right_logical(iv, 6) * TPAD
            cvec = jnp.bitwise_and(iv, CSTRIDE - 1) * TPAD

            @plsc.parallel_loop(0, 16, unroll=4)
            def _row(l):
                rs = lane_splat(rvec, l)
                cs = lane_splat(cvec, l)
                row = 16 * g + l

                @plsc.parallel_loop(0, HALF, step=16, unroll=8)
                def _col(k):
                    kv = lax.broadcasted_iota(jnp.int32, (16,), 0) + k
                    buf[row, pl.ds(k, 16)] = plsc.load_gather(rt, [rs + kv])
                    buf[row, pl.ds(HALF + k, 16)] = (
                        plsc.load_gather(ct, [cs + kv]))

    cp0.wait()
    cp1.wait()
    cp2.wait()

    wstart(0, bc0, sc0)
    wstart(1, bc1, sc1)

    def macro(t, carry):
        wwait(bc0, sc0)
        construct(2 * t, bc0)
        wstart(2 * t, bc0, sc0)
        wwait(bc1, sc1)
        construct(2 * t + 1, bc1)
        wstart(2 * t + 1, bc1, sc1)
        return carry

    lax.fori_loop(0, CHUNKS_PER_W // 2, macro, 0, unroll=False)

    wwait(bc0, sc0)
    wwait(bc1, sc1)


def _sc_construct(rt, ct, idx_flat):
    mesh = plsc.VectorSubcoreMesh(core_axis_name="c", subcore_axis_name="s")
    return pl.kernel(
        _sc_body,
        mesh=mesh,
        compiler_params=pltpu.CompilerParams(needs_layout_passes=False),
        out_type=jax.ShapeDtypeStruct((TOTAL, D_MODEL), jnp.float32),
        scratch_types=[
            pltpu.VMEM((ROWS_PER_W,), jnp.int32),
            pltpu.VMEM((NVAL * TPAD,), jnp.float32),
            pltpu.VMEM((NVAL * TPAD,), jnp.float32),
            pltpu.VMEM((CHUNK, D_MODEL), jnp.float32),
            pltpu.VMEM((CHUNK, D_MODEL), jnp.float32),
            pltpu.SemaphoreType.DMA,
            pltpu.SemaphoreType.DMA,
            pltpu.SemaphoreType.DMA,
        ],
    )(rt, ct, idx_flat)


def kernel(patch_coords, row_embed, col_embed):
    xs = patch_coords[:, :, 0].reshape(IDX_SUB, IDX_LANE)
    ys = patch_coords[:, :, 1].reshape(IDX_SUB, IDX_LANE)
    row34 = row_embed[:NVAL]
    col34 = col_embed[:NVAL]
    idx, rt, ct = _tc_index_and_tables(xs, ys, row34, col34)
    out = _sc_construct(rt.reshape(NVAL * TPAD), ct.reshape(NVAL * TPAD),
                        idx.reshape(TOTAL))
    return out.reshape(B, N, D_MODEL)

# --- scband reference (transcript-rebuilt; emitter-appended) ---
"""Pipeline reference for scband-positional-encoding2-d-16527034155277 (READ-ONLY COPY).

The authoritative reference and input builder live on the scoring server;
editing this copy changes nothing except your own understanding.
"""

import jax, jax.numpy as jnp
import numpy as np
import math

D_MODEL = 768
MAX_PATCHES = 10000
NUM_EMB = int(math.sqrt(MAX_PATCHES)) + 1  # 101
B, N = 64, 1024

def setup_inputs(seed: int = 0) -> dict:
    key = jax.random.key(seed)
    k1, k2, k3 = jax.random.split(key, 3)
    patch_coords = jax.random.uniform(k1, (B, N, 2), dtype=jnp.float32)
    row_embed = jax.random.normal(k2, (NUM_EMB, D_MODEL // 2), dtype=jnp.float32)
    col_embed = jax.random.normal(k3, (NUM_EMB, D_MODEL // 2), dtype=jnp.float32)
    return {"patch_coords": patch_coords, "row_embed": row_embed, "col_embed": col_embed}

def reference(patch_coords, row_embed, col_embed):
    batch_size, num_patches, _ = patch_coords.shape
    max_coord = jnp.max(patch_coords)
    grid_size = int(math.sqrt(num_patches)) + 1  # static python int, matches torch
    row_indices = (patch_coords[:, :, 1] / max_coord * grid_size).astype(jnp.int32)
    col_indices = (patch_coords[:, :, 0] / max_coord * grid_size).astype(jnp.int32)
    row_indices = jnp.clip(row_indices, 0, row_embed.shape[0] - 1)
    col_indices = jnp.clip(col_indices, 0, col_embed.shape[0] - 1)
    row_embeds = jnp.take(row_embed, row_indices, axis=0)
    col_embeds = jnp.take(col_embed, col_indices, axis=0)
    pos_embeds = jnp.concatenate([row_embeds, col_embeds], axis=-1)
    return pos_embeds

if __name__ == "__main__":
    import jax
    _d = setup_inputs()
    print(jax.jit(kernel)(*tuple(_d.values())))

</pallas_src>

<mosaic_0001>
#map = affine_map<(d0, d1) -> (0)>
#map1 = affine_map<(d0, d1) -> (0, 0)>
module attributes {stable_mosaic.version = 14 : i64} {
  func.func @_sc_body(%arg0: i32, %arg1: i32, %arg2: memref<13090xf32, #tpu.memory_space<hbm>>, %arg3: memref<13090xf32, #tpu.memory_space<hbm>>, %arg4: memref<65536xi32, #tpu.memory_space<hbm>>, %arg5: memref<65536x768xf32, #tpu.memory_space<hbm>>, %arg6: memref<2048xi32, #tpu.memory_space<vmem>>, %arg7: memref<13090xf32, #tpu.memory_space<vmem>>, %arg8: memref<13090xf32, #tpu.memory_space<vmem>>, %arg9: memref<32x768xf32, #tpu.memory_space<vmem>>, %arg10: memref<32x768xf32, #tpu.memory_space<vmem>>, %arg11: memref<!tpu.dma_semaphore, #tpu.memory_space<semaphore_mem>>, %arg12: memref<!tpu.dma_semaphore, #tpu.memory_space<semaphore_mem>>, %arg13: memref<!tpu.dma_semaphore, #tpu.memory_space<semaphore_mem>>) attributes {dimension_semantics = [#tpu.dimension_semantics<core_parallel>, #tpu.dimension_semantics<subcore_parallel>], iteration_bounds = array<i64: 2, 16>, scalar_prefetch = 0 : i64, scratch_operands = 8 : i64, tpu.core_type = #tpu.core_type<sc_vector_subcore>, window_params = [{transform_indices = #map}, {transform_indices = #map}, {transform_indices = #map}, {transform_indices = #map1}]} {
    %mul3A = arith.constant 2 : i32
    %mul3A_0 = arith.muli %arg1, %mul3A : i32
    %add3A = arith.addi %mul3A_0, %arg0 : i32
    %mul3A_1 = arith.constant 2048 : i32
    %mul3A_2 = arith.muli %add3A, %mul3A_1 : i32
    %dma_start3A = tpu.memref_slice %arg4[%mul3A_2] : memref<65536xi32, #tpu.memory_space<hbm>> -> memref<2048xi32, #tpu.memory_space<hbm>>
    %dma_start3A_3 = tpu.memref_slice %arg4[%mul3A_2] : memref<65536xi32, #tpu.memory_space<hbm>> -> memref<2048xi32, #tpu.memory_space<hbm>>
    tpu.enqueue_dma source(%dma_start3A_3 : memref<2048xi32, #tpu.memory_space<hbm>>) target(%arg6 : memref<2048xi32, #tpu.memory_space<vmem>>) target_semaphore(%arg11 : memref<!tpu.dma_semaphore, #tpu.memory_space<semaphore_mem>>)
    tpu.enqueue_dma source(%arg2 : memref<13090xf32, #tpu.memory_space<hbm>>) target(%arg7 : memref<13090xf32, #tpu.memory_space<vmem>>) target_semaphore(%arg11 : memref<!tpu.dma_semaphore, #tpu.memory_space<semaphore_mem>>)
    tpu.enqueue_dma source(%arg3 : memref<13090xf32, #tpu.memory_space<hbm>>) target(%arg8 : memref<13090xf32, #tpu.memory_space<vmem>>) target_semaphore(%arg11 : memref<!tpu.dma_semaphore, #tpu.memory_space<semaphore_mem>>)
    %mul3A_4 = arith.constant 2048 : i32
    %mul3A_5 = arith.muli %add3A, %mul3A_4 : i32
    %dma_wait3A = tpu.memref_slice %arg4[%mul3A_2] : memref<65536xi32, #tpu.memory_space<hbm>> -> memref<2048xi32, #tpu.memory_space<hbm>>
    %dma_wait3A_6 = tpu.memref_slice %arg4[%mul3A_2] : memref<65536xi32, #tpu.memory_space<hbm>> -> memref<2048xi32, #tpu.memory_space<hbm>>
    tpu.wait_dma2 semaphore(%arg11 : memref<!tpu.dma_semaphore, #tpu.memory_space<semaphore_mem>>) src(%dma_wait3A_6 : memref<2048xi32, #tpu.memory_space<hbm>>) dst(%arg6 : memref<2048xi32, #tpu.memory_space<vmem>>)
    tpu.wait_dma2 semaphore(%arg11 : memref<!tpu.dma_semaphore, #tpu.memory_space<semaphore_mem>>) src(%arg2 : memref<13090xf32, #tpu.memory_space<hbm>>) dst(%arg7 : memref<13090xf32, #tpu.memory_space<vmem>>)
    tpu.wait_dma2 semaphore(%arg11 : memref<!tpu.dma_semaphore, #tpu.memory_space<semaphore_mem>>) src(%arg3 : memref<13090xf32, #tpu.memory_space<hbm>>) dst(%arg8 : memref<13090xf32, #tpu.memory_space<vmem>>)
    %add3A_7 = arith.constant 0 : i32
    %add3A_8 = arith.addi %mul3A_5, %add3A_7 : i32
    %dma_start3A_9 = arith.constant 0 : i32
    %dma_start3A_10 = tpu.memref_slice %arg5[%add3A_8, %dma_start3A_9] : memref<65536x768xf32, #tpu.memory_space<hbm>> -> memref<32x768xf32, #tpu.memory_space<hbm>>
    %dma_start3A_11 = arith.constant 0 : i32
    %dma_start3A_12 = tpu.memref_slice %arg5[%add3A_8, %dma_start3A_11] : memref<65536x768xf32, #tpu.memory_space<hbm>> -> memref<32x768xf32, #tpu.memory_space<hbm>>
    tpu.enqueue_dma source(%arg9 : memref<32x768xf32, #tpu.memory_space<vmem>>) target(%dma_start3A_12 : memref<32x768xf32, #tpu.memory_space<hbm>>) target_semaphore(%arg12 : memref<!tpu.dma_semaphore, #tpu.memory_space<semaphore_mem>>)
    %add3A_13 = arith.constant 32 : i32
    %add3A_14 = arith.addi %mul3A_5, %add3A_13 : i32
    %dma_start3A_15 = arith.constant 0 : i32
    %dma_start3A_16 = tpu.memref_slice %arg5[%add3A_14, %dma_start3A_15] : memref<65536x768xf32, #tpu.memory_space<hbm>> -> memref<32x768xf32, #tpu.memory_space<hbm>>
    %dma_start3A_17 = arith.constant 0 : i32
    %dma_start3A_18 = tpu.memref_slice %arg5[%add3A_14, %dma_start3A_17] : memref<65536x768xf32, #tpu.memory_space<hbm>> -> memref<32x768xf32, #tpu.memory_space<hbm>>
    tpu.enqueue_dma source(%arg10 : memref<32x768xf32, #tpu.memory_space<vmem>>) target(%dma_start3A_18 : memref<32x768xf32, #tpu.memory_space<hbm>>) target_semaphore(%arg13 : memref<!tpu.dma_semaphore, #tpu.memory_space<semaphore_mem>>)
    %scan3A = arith.constant 0 : i32
    %scan3A_19 = arith.constant 0 : i32
    %scan3A_20 = arith.constant 32 : i32
    %scan3A_21 = arith.addi %scan3A_19, %scan3A_20 : i32
    %scan3A_22 = arith.constant 1 : i32
    scf.for %scan3A_32 = %scan3A_19 to %scan3A_21 step %scan3A_22  : i32 {
      %dma_wait3A_33 = arith.constant 0 : i32
      %dma_wait3A_34 = tpu.memref_slice %arg5[%mul3A_5, %dma_wait3A_33] : memref<65536x768xf32, #tpu.memory_space<hbm>> -> memref<32x768xf32, #tpu.memory_space<hbm>>
      %dma_wait3A_35 = arith.constant 0 : i32
      %dma_wait3A_36 = tpu.memref_slice %arg5[%mul3A_5, %dma_wait3A_35] : memref<65536x768xf32, #tpu.memory_space<hbm>> -> memref<32x768xf32, #tpu.memory_space<hbm>>
      tpu.wait_dma2 semaphore(%arg12 : memref<!tpu.dma_semaphore, #tpu.memory_space<semaphore_mem>>) src(%arg9 : memref<32x768xf32, #tpu.memory_space<vmem>>) dst(%dma_wait3A_36 : memref<32x768xf32, #tpu.memory_space<hbm>>)
      %mul3A_37 = arith.constant 2 : i32
      %mul3A_38 = arith.muli %mul3A_37, %scan3A_32 : i32
      %mul3A_39 = arith.constant 32 : i32
      %mul3A_40 = arith.muli %mul3A_38, %mul3A_39 : i32
      %add3A_41 = arith.constant 0 : i32
      %add3A_42 = arith.addi %mul3A_40, %add3A_41 : i32
      %get3A = arith.index_cast %add3A_42 : i32 to index
      %get3A_43 = tpu.vector_load %arg6[%get3A] {strides = array<i32>} : memref<2048xi32, #tpu.memory_space<vmem>>, vector<16xi32>,
      %shift_right_logical3A = arith.constant 6 : i32
      %shift_right_logical3A_44 = vector.broadcast %shift_right_logical3A : i32 to vector<16xi32>
      %shift_right_logical3A_45 = arith.shrui %get3A_43, %shift_right_logical3A_44 : vector<16xi32>
      %mul3A_46 = arith.constant 385 : i32
      %mul3A_47 = vector.broadcast %mul3A_46 : i32 to vector<16xi32>
      %mul3A_48 = arith.muli %shift_right_logical3A_45, %mul3A_47 : vector<16xi32>
      %and3A = arith.constant 63 : i32
      %and3A_49 = vector.broadcast %and3A : i32 to vector<16xi32>
      %and3A_50 = arith.andi %get3A_43, %and3A_49 : vector<16xi32>
      %mul3A_51 = arith.constant 385 : i32
      %mul3A_52 = vector.broadcast %mul3A_51 : i32 to vector<16xi32>
      %mul3A_53 = arith.muli %and3A_50, %mul3A_52 : vector<16xi32>
      %parallel_loop3A = arith.constant 0 : i32
      %parallel_loop3A_54 = arith.constant 16 : i32
      %parallel_loop3A_55 = arith.constant 1 : i32
      scf.for %parallel_loop3A_143 = %parallel_loop3A to %parallel_loop3A_54 step %parallel_loop3A_55  : i32 {
        %parallel_loop3A_144 = vector.broadcast %parallel_loop3A_143 : i32 to vector<16x1xi32>
        %parallel_loop3A_145 = vector.shape_cast %parallel_loop3A_144 : vector<16x1xi32> to vector<16xi32>
        %parallel_loop3A_146 = tpu.dynamic_gather %mul3A_48[%parallel_loop3A_145] in [0] : vector<16xi32>, vector<16xi32> -> vector<16xi32>
        %parallel_loop3A_147 = vector.broadcast %parallel_loop3A_143 : i32 to vector<16x1xi32>
        %parallel_loop3A_148 = vector.shape_cast %parallel_loop3A_147 : vector<16x1xi32> to vector<16xi32>
        %parallel_loop3A_149 = tpu.dynamic_gather %mul3A_53[%parallel_loop3A_148] in [0] : vector<16xi32>, vector<16xi32> -> vector<16xi32>
        %parallel_loop3A_150 = arith.constant 0 : i32
        %parallel_loop3A_151 = arith.addi %parallel_loop3A_150, %parallel_loop3A_143 : i32
        %parallel_loop3A_152 = arith.constant 0 : i32
        %parallel_loop3A_153 = arith.constant 384 : i32
        %parallel_loop3A_154 = arith.constant 16 : i32
        scf.for %parallel_loop3A_155 = %parallel_loop3A_152 to %parallel_loop3A_153 step %parallel_loop3A_154  : i32 {
          %parallel_loop3A_156 = tpu.iota {dimensions = array<i32: 0>} : vector<16xi32>
          %parallel_loop3A_157 = vector.broadcast %parallel_loop3A_155 : i32 to vector<16xi32>
          %parallel_loop3A_158 = arith.addi %parallel_loop3A_156, %parallel_loop3A_157 : vector<16xi32>
          %parallel_loop3A_159 = arith.addi %parallel_loop3A_146, %parallel_loop3A_158 : vector<16xi32>
          %parallel_loop3A_160 = tpu.vector_load_idx %arg7[%parallel_loop3A_159] : memref<13090xf32, #tpu.memory_space<vmem>>[vector<16xi32>], vector<16xf32>,
          %parallel_loop3A_161 = arith.index_cast %parallel_loop3A_151 : i32 to index
          %parallel_loop3A_162 = arith.index_cast %parallel_loop3A_155 : i32 to index
          %parallel_loop3A_163 = tpu.vector_load %arg9[%parallel_loop3A_161, %parallel_loop3A_162] {strides = array<i32>} : memref<32x768xf32, #tpu.memory_space<vmem>>, vector<16xf32>,
          tpu.vector_store %arg9[%parallel_loop3A_161, %parallel_loop3A_162], %parallel_loop3A_160 {strides = array<i32>} : memref<32x768xf32, #tpu.memory_space<vmem>>, vector<16xf32>,
          %parallel_loop3A_164 = arith.addi %parallel_loop3A_149, %parallel_loop3A_158 : vector<16xi32>
          %parallel_loop3A_165 = tpu.vector_load_idx %arg8[%parallel_loop3A_164] : memref<13090xf32, #tpu.memory_space<vmem>>[vector<16xi32>], vector<16xf32>,
          %parallel_loop3A_166 = arith.constant 384 : i32
          %parallel_loop3A_167 = arith.addi %parallel_loop3A_166, %parallel_loop3A_155 : i32
          %parallel_loop3A_168 = arith.index_cast %parallel_loop3A_151 : i32 to index
          %parallel_loop3A_169 = arith.index_cast %parallel_loop3A_167 : i32 to index
          %parallel_loop3A_170 = tpu.vector_load %arg9[%parallel_loop3A_168, %parallel_loop3A_169] {strides = array<i32>} : memref<32x768xf32, #tpu.memory_space<vmem>>, vector<16xf32>,
          tpu.vector_store %arg9[%parallel_loop3A_168, %parallel_loop3A_169], %parallel_loop3A_165 {strides = array<i32>} : memref<32x768xf32, #tpu.memory_space<vmem>>, vector<16xf32>,
        } {sc.loop_unroll_factor = 8 : i64, sc.parallel_access}
      } {sc.loop_unroll_factor = 4 : i64, sc.parallel_access}
      %add3A_56 = arith.constant 16 : i32
      %add3A_57 = arith.addi %mul3A_40, %add3A_56 : i32
      %get3A_58 = arith.index_cast %add3A_57 : i32 to index
      %get3A_59 = tpu.vector_load %arg6[%get3A_58] {strides = array<i32>} : memref<2048xi32, #tpu.memory_space<vmem>>, vector<16xi32>,
      %shift_right_logical3A_60 = arith.constant 6 : i32
      %shift_right_logical3A_61 = vector.broadcast %shift_right_logical3A_60 : i32 to vector<16xi32>
      %shift_right_logical3A_62 = arith.shrui %get3A_59, %shift_right_logical3A_61 : vector<16xi32>
      %mul3A_63 = arith.constant 385 : i32
      %mul3A_64 = vector.broadcast %mul3A_63 : i32 to vector<16xi32>
      %mul3A_65 = arith.muli %shift_right_logical3A_62, %mul3A_64 : vector<16xi32>
      %and3A_66 = arith.constant 63 : i32
      %and3A_67 = vector.broadcast %and3A_66 : i32 to vector<16xi32>
      %and3A_68 = arith.andi %get3A_59, %and3A_67 : vector<16xi32>
      %mul3A_69 = arith.constant 385 : i32
      %mul3A_70 = vector.broadcast %mul3A_69 : i32 to vector<16xi32>
      %mul3A_71 = arith.muli %and3A_68, %mul3A_70 : vector<16xi32>
      %parallel_loop3A_72 = arith.constant 0 : i32
      %parallel_loop3A_73 = arith.constant 16 : i32
      %parallel_loop3A_74 = arith.constant 1 : i32
      scf.for %parallel_loop3A_143 = %parallel_loop3A_72 to %parallel_loop3A_73 step %parallel_loop3A_74  : i32 {
        %parallel_loop3A_144 = vector.broadcast %parallel_loop3A_143 : i32 to vector<16x1xi32>
        %parallel_loop3A_145 = vector.shape_cast %parallel_loop3A_144 : vector<16x1xi32> to vector<16xi32>
        %parallel_loop3A_146 = tpu.dynamic_gather %mul3A_65[%parallel_loop3A_145] in [0] : vector<16xi32>, vector<16xi32> -> vector<16xi32>
        %parallel_loop3A_147 = vector.broadcast %parallel_loop3A_143 : i32 to vector<16x1xi32>
        %parallel_loop3A_148 = vector.shape_cast %parallel_loop3A_147 : vector<16x1xi32> to vector<16xi32>
        %parallel_loop3A_149 = tpu.dynamic_gather %mul3A_71[%parallel_loop3A_148] in [0] : vector<16xi32>, vector<16xi32> -> vector<16xi32>
        %parallel_loop3A_150 = arith.constant 16 : i32
        %parallel_loop3A_151 = arith.addi %parallel_loop3A_150, %parallel_loop3A_143 : i32
        %parallel_loop3A_152 = arith.constant 0 : i32
        %parallel_loop3A_153 = arith.constant 384 : i32
        %parallel_loop3A_154 = arith.constant 16 : i32
        scf.for %parallel_loop3A_155 = %parallel_loop3A_152 to %parallel_loop3A_153 step %parallel_loop3A_154  : i32 {
          %parallel_loop3A_156 = tpu.iota {dimensions = array<i32: 0>} : vector<16xi32>
          %parallel_loop3A_157 = vector.broadcast %parallel_loop3A_155 : i32 to vector<16xi32>
          %parallel_loop3A_158 = arith.addi %parallel_loop3A_156, %parallel_loop3A_157 : vector<16xi32>
          %parallel_loop3A_159 = arith.addi %parallel_loop3A_146, %parallel_loop3A_158 : vector<16xi32>
          %parallel_loop3A_160 = tpu.vector_load_idx %arg7[%parallel_loop3A_159] : memref<13090xf32, #tpu.memory_space<vmem>>[vector<16xi32>], vector<16xf32>,
          %parallel_loop3A_161 = arith.index_cast %parallel_loop3A_151 : i32 to index
          %parallel_loop3A_162 = arith.index_cast %parallel_loop3A_155 : i32 to index
          %parallel_loop3A_163 = tpu.vector_load %arg9[%parallel_loop3A_161, %parallel_loop3A_162] {strides = array<i32>} : memref<32x768xf32, #tpu.memory_space<vmem>>, vector<16xf32>,
          tpu.vector_store %arg9[%parallel_loop3A_161, %parallel_loop3A_162], %parallel_loop3A_160 {strides = array<i32>} : memref<32x768xf32, #tpu.memory_space<vmem>>, vector<16xf32>,
          %parallel_loop3A_164 = arith.addi %parallel_loop3A_149, %parallel_loop3A_158 : vector<16xi32>
          %parallel_loop3A_165 = tpu.vector_load_idx %arg8[%parallel_loop3A_164] : memref<13090xf32, #tpu.memory_space<vmem>>[vector<16xi32>], vector<16xf32>,
          %parallel_loop3A_166 = arith.constant 384 : i32
          %parallel_loop3A_167 = arith.addi %parallel_loop3A_166, %parallel_loop3A_155 : i32
          %parallel_loop3A_168 = arith.index_cast %parallel_loop3A_151 : i32 to index
          %parallel_loop3A_169 = arith.index_cast %parallel_loop3A_167 : i32 to index
          %parallel_loop3A_170 = tpu.vector_load %arg9[%parallel_loop3A_168, %parallel_loop3A_169] {strides = array<i32>} : memref<32x768xf32, #tpu.memory_space<vmem>>, vector<16xf32>,
          tpu.vector_store %arg9[%parallel_loop3A_168, %parallel_loop3A_169], %parallel_loop3A_165 {strides = array<i32>} : memref<32x768xf32, #tpu.memory_space<vmem>>, vector<16xf32>,
        } {sc.loop_unroll_factor = 8 : i64, sc.parallel_access}
      } {sc.loop_unroll_factor = 4 : i64, sc.parallel_access}
      %mul3A_75 = arith.constant 2 : i32
      %mul3A_76 = arith.muli %mul3A_75, %scan3A_32 : i32
      %mul3A_77 = arith.constant 32 : i32
      %mul3A_78 = arith.muli %mul3A_76, %mul3A_77 : i32
      %add3A_79 = arith.addi %mul3A_5, %mul3A_78 : i32
      %dma_start3A_80 = arith.constant 0 : i32
      %dma_start3A_81 = tpu.memref_slice %arg5[%add3A_79, %dma_start3A_80] : memref<65536x768xf32, #tpu.memory_space<hbm>> -> memref<32x768xf32, #tpu.memory_space<hbm>>
      %dma_start3A_82 = arith.constant 0 : i32
      %dma_start3A_83 = tpu.memref_slice %arg5[%add3A_79, %dma_start3A_82] : memref<65536x768xf32, #tpu.memory_space<hbm>> -> memref<32x768xf32, #tpu.memory_space<hbm>>
      tpu.enqueue_dma source(%arg9 : memref<32x768xf32, #tpu.memory_space<vmem>>) target(%dma_start3A_83 : memref<32x768xf32, #tpu.memory_space<hbm>>) target_semaphore(%arg12 : memref<!tpu.dma_semaphore, #tpu.memory_space<semaphore_mem>>)
      %dma_wait3A_84 = arith.constant 0 : i32
      %dma_wait3A_85 = tpu.memref_slice %arg5[%mul3A_5, %dma_wait3A_84] : memref<65536x768xf32, #tpu.memory_space<hbm>> -> memref<32x768xf32, #tpu.memory_space<hbm>>
      %dma_wait3A_86 = arith.constant 0 : i32
      %dma_wait3A_87 = tpu.memref_slice %arg5[%mul3A_5, %dma_wait3A_86] : memref<65536x768xf32, #tpu.memory_space<hbm>> -> memref<32x768xf32, #tpu.memory_space<hbm>>
      tpu.wait_dma2 semaphore(%arg13 : memref<!tpu.dma_semaphore, #tpu.memory_space<semaphore_mem>>) src(%arg10 : memref<32x768xf32, #tpu.memory_space<vmem>>) dst(%dma_wait3A_87 : memref<32x768xf32, #tpu.memory_space<hbm>>)
      %mul3A_88 = arith.constant 2 : i32
      %mul3A_89 = arith.muli %mul3A_88, %scan3A_32 : i32
      %add3A_90 = arith.constant 1 : i32
      %add3A_91 = arith.addi %mul3A_89, %add3A_90 : i32
      %mul3A_92 = arith.constant 32 : i32
      %mul3A_93 = arith.muli %add3A_91, %mul3A_92 : i32
      %add3A_94 = arith.constant 0 : i32
      %add3A_95 = arith.addi %mul3A_93, %add3A_94 : i32
      %get3A_96 = arith.index_cast %add3A_95 : i32 to index
      %get3A_97 = tpu.vector_load %arg6[%get3A_96] {strides = array<i32>} : memref<2048xi32, #tpu.memory_space<vmem>>, vector<16xi32>,
      %shift_right_logical3A_98 = arith.constant 6 : i32
      %shift_right_logical3A_99 = vector.broadcast %shift_right_logical3A_98 : i32 to vector<16xi32>
      %shift_right_logical3A_100 = arith.shrui %get3A_97, %shift_right_logical3A_99 : vector<16xi32>
      %mul3A_101 = arith.constant 385 : i32
      %mul3A_102 = vector.broadcast %mul3A_101 : i32 to vector<16xi32>
      %mul3A_103 = arith.muli %shift_right_logical3A_100, %mul3A_102 : vector<16xi32>
      %and3A_104 = arith.constant 63 : i32
      %and3A_105 = vector.broadcast %and3A_104 : i32 to vector<16xi32>
      %and3A_106 = arith.andi %get3A_97, %and3A_105 : vector<16xi32>
      %mul3A_107 = arith.constant 385 : i32
      %mul3A_108 = vector.broadcast %mul3A_107 : i32 to vector<16xi32>
      %mul3A_109 = arith.muli %and3A_106, %mul3A_108 : vector<16xi32>
      %parallel_loop3A_110 = arith.constant 0 : i32
      %parallel_loop3A_111 = arith.constant 16 : i32
      %parallel_loop3A_112 = arith.constant 1 : i32
      scf.for %parallel_loop3A_143 = %parallel_loop3A_110 to %parallel_loop3A_111 step %parallel_loop3A_112  : i32 {
        %parallel_loop3A_144 = vector.broadcast %parallel_loop3A_143 : i32 to vector<16x1xi32>
        %parallel_loop3A_145 = vector.shape_cast %parallel_loop3A_144 : vector<16x1xi32> to vector<16xi32>
        %parallel_loop3A_146 = tpu.dynamic_gather %mul3A_103[%parallel_loop3A_145] in [0] : vector<16xi32>, vector<16xi32> -> vector<16xi32>
        %parallel_loop3A_147 = vector.broadcast %parallel_loop3A_143 : i32 to vector<16x1xi32>
        %parallel_loop3A_148 = vector.shape_cast %parallel_loop3A_147 : vector<16x1xi32> to vector<16xi32>
        %parallel_loop3A_149 = tpu.dynamic_gather %mul3A_109[%parallel_loop3A_148] in [0] : vector<16xi32>, vector<16xi32> -> vector<16xi32>
        %parallel_loop3A_150 = arith.constant 0 : i32
        %parallel_loop3A_151 = arith.addi %parallel_loop3A_150, %parallel_loop3A_143 : i32
        %parallel_loop3A_152 = arith.constant 0 : i32
        %parallel_loop3A_153 = arith.constant 384 : i32
        %parallel_loop3A_154 = arith.constant 16 : i32
        scf.for %parallel_loop3A_155 = %parallel_loop3A_152 to %parallel_loop3A_153 step %parallel_loop3A_154  : i32 {
          %parallel_loop3A_156 = tpu.iota {dimensions = array<i32: 0>} : vector<16xi32>
          %parallel_loop3A_157 = vector.broadcast %parallel_loop3A_155 : i32 to vector<16xi32>
          %parallel_loop3A_158 = arith.addi %parallel_loop3A_156, %parallel_loop3A_157 : vector<16xi32>
          %parallel_loop3A_159 = arith.addi %parallel_loop3A_146, %parallel_loop3A_158 : vector<16xi32>
          %parallel_loop3A_160 = tpu.vector_load_idx %arg7[%parallel_loop3A_159] : memref<13090xf32, #tpu.memory_space<vmem>>[vector<16xi32>], vector<16xf32>,
          %parallel_loop3A_161 = arith.index_cast %parallel_loop3A_151 : i32 to index
          %parallel_loop3A_162 = arith.index_cast %parallel_loop3A_155 : i32 to index
          %parallel_loop3A_163 = tpu.vector_load %arg10[%parallel_loop3A_161, %parallel_loop3A_162] {strides = array<i32>} : memref<32x768xf32, #tpu.memory_space<vmem>>, vector<16xf32>,
          tpu.vector_store %arg10[%parallel_loop3A_161, %parallel_loop3A_162], %parallel_loop3A_160 {strides = array<i32>} : memref<32x768xf32, #tpu.memory_space<vmem>>, vector<16xf32>,
          %parallel_loop3A_164 = arith.addi %parallel_loop3A_149, %parallel_loop3A_158 : vector<16xi32>
          %parallel_loop3A_165 = tpu.vector_load_idx %arg8[%parallel_loop3A_164] : memref<13090xf32, #tpu.memory_space<vmem>>[vector<16xi32>], vector<16xf32>,
          %parallel_loop3A_166 = arith.constant 384 : i32
          %parallel_loop3A_167 = arith.addi %parallel_loop3A_166, %parallel_loop3A_155 : i32
          %parallel_loop3A_168 = arith.index_cast %parallel_loop3A_151 : i32 to index
          %parallel_loop3A_169 = arith.index_cast %parallel_loop3A_167 : i32 to index
          %parallel_loop3A_170 = tpu.vector_load %arg10[%parallel_loop3A_168, %parallel_loop3A_169] {strides = array<i32>} : memref<32x768xf32, #tpu.memory_space<vmem>>, vector<16xf32>,
          tpu.vector_store %arg10[%parallel_loop3A_168, %parallel_loop3A_169], %parallel_loop3A_165 {strides = array<i32>} : memref<32x768xf32, #tpu.memory_space<vmem>>, vector<16xf32>,
        } {sc.loop_unroll_factor = 8 : i64, sc.parallel_access}
      } {sc.loop_unroll_factor = 4 : i64, sc.parallel_access}
      %add3A_113 = arith.constant 16 : i32
      %add3A_114 = arith.addi %mul3A_93, %add3A_113 : i32
      %get3A_115 = arith.index_cast %add3A_114 : i32 to index
      %get3A_116 = tpu.vector_load %arg6[%get3A_115] {strides = array<i32>} : memref<2048xi32, #tpu.memory_space<vmem>>, vector<16xi32>,
      %shift_right_logical3A_117 = arith.constant 6 : i32
      %shift_right_logical3A_118 = vector.broadcast %shift_right_logical3A_117 : i32 to vector<16xi32>
      %shift_right_logical3A_119 = arith.shrui %get3A_116, %shift_right_logical3A_118 : vector<16xi32>
      %mul3A_120 = arith.constant 385 : i32
      %mul3A_121 = vector.broadcast %mul3A_120 : i32 to vector<16xi32>
      %mul3A_122 = arith.muli %shift_right_logical3A_119, %mul3A_121 : vector<16xi32>
      %and3A_123 = arith.constant 63 : i32
      %and3A_124 = vector.broadcast %and3A_123 : i32 to vector<16xi32>
      %and3A_125 = arith.andi %get3A_116, %and3A_124 : vector<16xi32>
      %mul3A_126 = arith.constant 385 : i32
      %mul3A_127 = vector.broadcast %mul3A_126 : i32 to vector<16xi32>
      %mul3A_128 = arith.muli %and3A_125, %mul3A_127 : vector<16xi32>
      %parallel_loop3A_129 = arith.constant 0 : i32
      %parallel_loop3A_130 = arith.constant 16 : i32
      %parallel_loop3A_131 = arith.constant 1 : i32
      scf.for %parallel_loop3A_143 = %parallel_loop3A_129 to %parallel_loop3A_130 step %parallel_loop3A_131  : i32 {
        %parallel_loop3A_144 = vector.broadcast %parallel_loop3A_143 : i32 to vector<16x1xi32>
        %parallel_loop3A_145 = vector.shape_cast %parallel_loop3A_144 : vector<16x1xi32> to vector<16xi32>
        %parallel_loop3A_146 = tpu.dynamic_gather %mul3A_122[%parallel_loop3A_145] in [0] : vector<16xi32>, vector<16xi32> -> vector<16xi32>
        %parallel_loop3A_147 = vector.broadcast %parallel_loop3A_143 : i32 to vector<16x1xi32>
        %parallel_loop3A_148 = vector.shape_cast %parallel_loop3A_147 : vector<16x1xi32> to vector<16xi32>
        %parallel_loop3A_149 = tpu.dynamic_gather %mul3A_128[%parallel_loop3A_148] in [0] : vector<16xi32>, vector<16xi32> -> vector<16xi32>
        %parallel_loop3A_150 = arith.constant 16 : i32
        %parallel_loop3A_151 = arith.addi %parallel_loop3A_150, %parallel_loop3A_143 : i32
        %parallel_loop3A_152 = arith.constant 0 : i32
        %parallel_loop3A_153 = arith.constant 384 : i32
        %parallel_loop3A_154 = arith.constant 16 : i32
        scf.for %parallel_loop3A_155 = %parallel_loop3A_152 to %parallel_loop3A_153 step %parallel_loop3A_154  : i32 {
          %parallel_loop3A_156 = tpu.iota {dimensions = array<i32: 0>} : vector<16xi32>
          %parallel_loop3A_157 = vector.broadcast %parallel_loop3A_155 : i32 to vector<16xi32>
          %parallel_loop3A_158 = arith.addi %parallel_loop3A_156, %parallel_loop3A_157 : vector<16xi32>
          %parallel_loop3A_159 = arith.addi %parallel_loop3A_146, %parallel_loop3A_158 : vector<16xi32>
          %parallel_loop3A_160 = tpu.vector_load_idx %arg7[%parallel_loop3A_159] : memref<13090xf32, #tpu.memory_space<vmem>>[vector<16xi32>], vector<16xf32>,
          %parallel_loop3A_161 = arith.index_cast %parallel_loop3A_151 : i32 to index
          %parallel_loop3A_162 = arith.index_cast %parallel_loop3A_155 : i32 to index
          %parallel_loop3A_163 = tpu.vector_load %arg10[%parallel_loop3A_161, %parallel_loop3A_162] {strides = array<i32>} : memref<32x768xf32, #tpu.memory_space<vmem>>, vector<16xf32>,
          tpu.vector_store %arg10[%parallel_loop3A_161, %parallel_loop3A_162], %parallel_loop3A_160 {strides = array<i32>} : memref<32x768xf32, #tpu.memory_space<vmem>>, vector<16xf32>,
          %parallel_loop3A_164 = arith.addi %parallel_loop3A_149, %parallel_loop3A_158 : vector<16xi32>
          %parallel_loop3A_165 = tpu.vector_load_idx %arg8[%parallel_loop3A_164] : memref<13090xf32, #tpu.memory_space<vmem>>[vector<16xi32>], vector<16xf32>,
          %parallel_loop3A_166 = arith.constant 384 : i32
          %parallel_loop3A_167 = arith.addi %parallel_loop3A_166, %parallel_loop3A_155 : i32
          %parallel_loop3A_168 = arith.index_cast %parallel_loop3A_151 : i32 to index
          %parallel_loop3A_169 = arith.index_cast %parallel_loop3A_167 : i32 to index
          %parallel_loop3A_170 = tpu.vector_load %arg10[%parallel_loop3A_168, %parallel_loop3A_169] {strides = array<i32>} : memref<32x768xf32, #tpu.memory_space<vmem>>, vector<16xf32>,
          tpu.vector_store %arg10[%parallel_loop3A_168, %parallel_loop3A_169], %parallel_loop3A_165 {strides = array<i32>} : memref<32x768xf32, #tpu.memory_space<vmem>>, vector<16xf32>,
        } {sc.loop_unroll_factor = 8 : i64, sc.parallel_access}
      } {sc.loop_unroll_factor = 4 : i64, sc.parallel_access}
      %mul3A_132 = arith.constant 2 : i32
      %mul3A_133 = arith.muli %mul3A_132, %scan3A_32 : i32
      %add3A_134 = arith.constant 1 : i32
      %add3A_135 = arith.addi %mul3A_133, %add3A_134 : i32
      %mul3A_136 = arith.constant 32 : i32
      %mul3A_137 = arith.muli %add3A_135, %mul3A_136 : i32
      %add3A_138 = arith.addi %mul3A_5, %mul3A_137 : i32
      %dma_start3A_139 = arith.constant 0 : i32
      %dma_start3A_140 = tpu.memref_slice %arg5[%add3A_138, %dma_start3A_139] : memref<65536x768xf32, #tpu.memory_space<hbm>> -> memref<32x768xf32, #tpu.memory_space<hbm>>
      %dma_start3A_141 = arith.constant 0 : i32
      %dma_start3A_142 = tpu.memref_slice %arg5[%add3A_138, %dma_start3A_141] : memref<65536x768xf32, #tpu.memory_space<hbm>> -> memref<32x768xf32, #tpu.memory_space<hbm>>
      tpu.enqueue_dma source(%arg10 : memref<32x768xf32, #tpu.memory_space<vmem>>) target(%dma_start3A_142 : memref<32x768xf32, #tpu.memory_space<hbm>>) target_semaphore(%arg13 : memref<!tpu.dma_semaphore, #tpu.memory_space<semaphore_mem>>)
    }
    %scan3A_23 = arith.constant 32 : i32
    %dma_wait3A_24 = arith.constant 0 : i32
    %dma_wait3A_25 = tpu.memref_slice %arg5[%mul3A_5, %dma_wait3A_24] : memref<65536x768xf32, #tpu.memory_space<hbm>> -> memref<32x768xf32, #tpu.memory_space<hbm>>
    %dma_wait3A_26 = arith.constant 0 : i32
    %dma_wait3A_27 = tpu.memref_slice %arg5[%mul3A_5, %dma_wait3A_26] : memref<65536x768xf32, #tpu.memory_space<hbm>> -> memref<32x768xf32, #tpu.memory_space<hbm>>
    tpu.wait_dma2 semaphore(%arg12 : memref<!tpu.dma_semaphore, #tpu.memory_space<semaphore_mem>>) src(%arg9 : memref<32x768xf32, #tpu.memory_space<vmem>>) dst(%dma_wait3A_27 : memref<32x768xf32, #tpu.memory_space<hbm>>)
    %dma_wait3A_28 = arith.constant 0 : i32
    %dma_wait3A_29 = tpu.memref_slice %arg5[%mul3A_5, %dma_wait3A_28] : memref<65536x768xf32, #tpu.memory_space<hbm>> -> memref<32x768xf32, #tpu.memory_space<hbm>>
    %dma_wait3A_30 = arith.constant 0 : i32
    %dma_wait3A_31 = tpu.memref_slice %arg5[%mul3A_5, %dma_wait3A_30] : memref<65536x768xf32, #tpu.memory_space<hbm>> -> memref<32x768xf32, #tpu.memory_space<hbm>>
    tpu.wait_dma2 semaphore(%arg13 : memref<!tpu.dma_semaphore, #tpu.memory_space<semaphore_mem>>) src(%arg10 : memref<32x768xf32, #tpu.memory_space<vmem>>) dst(%dma_wait3A_31 : memref<32x768xf32, #tpu.memory_space<hbm>>)
    return
  }
}

module attributes {stable_mosaic.version = 14 : i64} {
  func.func @_tc_body(%arg0: memref<512x128xf32, #tpu.memory_space<vmem>>, %arg1: memref<512x128xf32, #tpu.memory_space<vmem>>, %arg2: memref<34x384xf32, #tpu.memory_space<vmem>>, %arg3: memref<34x384xf32, #tpu.memory_space<vmem>>, %arg4: memref<512x128xi32, #tpu.memory_space<vmem>>, %arg5: memref<34x385xf32, #tpu.memory_space<vmem>>, %arg6: memref<34x385xf32, #tpu.memory_space<vmem>>) attributes {dimension_semantics = [], scalar_prefetch = 0 : i64, scratch_operands = 0 : i64, tpu.core_type = #tpu.core_type<tc>} {
    %get3A = arith.constant 0 : index
    %get3A_0 = arith.constant 0 : index
    %get3A_1 = vector.load %arg0[%get3A, %get3A_0] : memref<512x128xf32, #tpu.memory_space<vmem>>, vector<512x128xf32>
    %get3A_2 = arith.constant 0 : index
    %get3A_3 = arith.constant 0 : index
    %get3A_4 = vector.load %arg1[%get3A_2, %get3A_3] : memref<512x128xf32, #tpu.memory_space<vmem>>, vector<512x128xf32>
    %reduce_max3A = vector.shape_cast %get3A_1 : vector<512x128xf32> to vector<1x512x128xf32>
    %reduce_max3A_5 = arith.constant dense<0xFF800000> : vector<1xf32>
    %reduce_max3A_6 = vector.multi_reduction <maximumf>, %reduce_max3A, %reduce_max3A_5 [1, 2] : vector<1x512x128xf32> to vector<1xf32>
    %reduce_max3A_7 = vector.shape_cast %reduce_max3A_6 : vector<1xf32> to vector<1x1x1xf32>
    %reduce_max3A_8 = vector.extract %reduce_max3A_7[0, 0, 0] : f32 from vector<1x1x1xf32>
    %reduce_max3A_9 = vector.shape_cast %get3A_4 : vector<512x128xf32> to vector<1x512x128xf32>
    %reduce_max3A_10 = arith.constant dense<0xFF800000> : vector<1xf32>
    %reduce_max3A_11 = vector.multi_reduction <maximumf>, %reduce_max3A_9, %reduce_max3A_10 [1, 2] : vector<1x512x128xf32> to vector<1xf32>
    %reduce_max3A_12 = vector.shape_cast %reduce_max3A_11 : vector<1xf32> to vector<1x1x1xf32>
    %reduce_max3A_13 = vector.extract %reduce_max3A_12[0, 0, 0] : f32 from vector<1x1x1xf32>
    %max3A = arith.maximumf %reduce_max3A_8, %reduce_max3A_13 : f32
    %div3A = vector.broadcast %max3A : f32 to vector<512x128xf32>
    %div3A_14 = arith.divf %get3A_4, %div3A : vector<512x128xf32>
    %mul3A = arith.constant 3.300000e+01 : f32
    %mul3A_15 = vector.broadcast %mul3A : f32 to vector<512x128xf32>
    %mul3A_16 = arith.mulf %div3A_14, %mul3A_15 : vector<512x128xf32>
    %convert_element_type3A = arith.fptosi %mul3A_16 : vector<512x128xf32> to vector<512x128xi32>
    %jit3A = arith.constant 0 : i32
    %jit3A_17 = arith.constant 33 : i32
    %max3A_18 = vector.broadcast %jit3A : i32 to vector<512x128xi32>
    %max3A_19 = arith.maxsi %max3A_18, %convert_element_type3A : vector<512x128xi32>
    %min3A = vector.broadcast %jit3A_17 : i32 to vector<512x128xi32>
    %min3A_20 = arith.minsi %min3A, %max3A_19 : vector<512x128xi32>
    %div3A_21 = vector.broadcast %max3A : f32 to vector<512x128xf32>
    %div3A_22 = arith.divf %get3A_1, %div3A_21 : vector<512x128xf32>
    %mul3A_23 = arith.constant 3.300000e+01 : f32
    %mul3A_24 = vector.broadcast %mul3A_23 : f32 to vector<512x128xf32>
    %mul3A_25 = arith.mulf %div3A_22, %mul3A_24 : vector<512x128xf32>
    %convert_element_type3A_26 = arith.fptosi %mul3A_25 : vector<512x128xf32> to vector<512x128xi32>
    %jit3A_27 = arith.constant 0 : i32
    %jit3A_28 = arith.constant 33 : i32
    %max3A_29 = vector.broadcast %jit3A_27 : i32 to vector<512x128xi32>
    %max3A_30 = arith.maxsi %max3A_29, %convert_element_type3A_26 : vector<512x128xi32>
    %min3A_31 = vector.broadcast %jit3A_28 : i32 to vector<512x128xi32>
    %min3A_32 = arith.minsi %min3A_31, %max3A_30 : vector<512x128xi32>
    %mul3A_33 = arith.constant 64 : i32
    %mul3A_34 = vector.broadcast %mul3A_33 : i32 to vector<512x128xi32>
    %mul3A_35 = arith.muli %min3A_20, %mul3A_34 : vector<512x128xi32>
    %add3A = arith.addi %mul3A_35, %min3A_32 : vector<512x128xi32>
    %swap3A = arith.constant 0 : index
    %swap3A_36 = arith.constant 0 : index
    %swap3A_37 = vector.load %arg4[%swap3A, %swap3A_36] : memref<512x128xi32, #tpu.memory_space<vmem>>, vector<512x128xi32>
    tpu.vector_store %arg4[%swap3A, %swap3A_36], %add3A {strides = array<i32>} : memref<512x128xi32, #tpu.memory_space<vmem>>, vector<512x128xi32>,
    %get3A_38 = arith.constant 0 : index
    %get3A_39 = arith.constant 0 : index
    %get3A_40 = vector.load %arg2[%get3A_38, %get3A_39] : memref<34x384xf32, #tpu.memory_space<vmem>>, vector<34x384xf32>
    %swap3A_41 = arith.constant 0 : index
    %swap3A_42 = arith.constant 0 : index
    %swap3A_43 = vector.load %arg5[%swap3A_41, %swap3A_42] : memref<34x385xf32, #tpu.memory_space<vmem>>, vector<34x384xf32>
    tpu.vector_store %arg5[%swap3A_41, %swap3A_42], %get3A_40 {strides = array<i32>} : memref<34x385xf32, #tpu.memory_space<vmem>>, vector<34x384xf32>,
    %get3A_44 = arith.constant 0 : index
    %get3A_45 = arith.constant 0 : index
    %get3A_46 = vector.load %arg3[%get3A_44, %get3A_45] : memref<34x384xf32, #tpu.memory_space<vmem>>, vector<34x384xf32>
    %swap3A_47 = arith.constant 0 : index
    %swap3A_48 = arith.constant 0 : index
    %swap3A_49 = vector.load %arg6[%swap3A_47, %swap3A_48] : memref<34x385xf32, #tpu.memory_space<vmem>>, vector<34x384xf32>
    tpu.vector_store %arg6[%swap3A_47, %swap3A_48], %get3A_46 {strides = array<i32>} : memref<34x385xf32, #tpu.memory_space<vmem>>, vector<34x384xf32>,
    %broadcast_in_dim3A = arith.constant 0.000000e+00 : f32
    %broadcast_in_dim3A_50 = vector.broadcast %broadcast_in_dim3A : f32 to vector<34x1xf32>
    %swap3A_51 = arith.constant 0 : index
    %swap3A_52 = arith.constant 384 : index
    %swap3A_53 = vector.load %arg5[%swap3A_51, %swap3A_52] : memref<34x385xf32, #tpu.memory_space<vmem>>, vector<34x1xf32>
    tpu.vector_store %arg5[%swap3A_51, %swap3A_52], %broadcast_in_dim3A_50 {strides = array<i32>} : memref<34x385xf32, #tpu.memory_space<vmem>>, vector<34x1xf32>,
    %broadcast_in_dim3A_54 = arith.constant 0.000000e+00 : f32
    %broadcast_in_dim3A_55 = vector.broadcast %broadcast_in_dim3A_54 : f32 to vector<34x1xf32>
    %swap3A_56 = arith.constant 0 : index
    %swap3A_57 = arith.constant 384 : index
    %swap3A_58 = vector.load %arg6[%swap3A_56, %swap3A_57] : memref<34x385xf32, #tpu.memory_space<vmem>>, vector<34x1xf32>
    tpu.vector_store %arg6[%swap3A_56, %swap3A_57], %broadcast_in_dim3A_55 {strides = array<i32>} : memref<34x385xf32, #tpu.memory_space<vmem>>, vector<34x1xf32>,
    return
  }
}

</mosaic_0001>

<sc_bundles>
// kernel: kernel.4.cloned.1.call-start
scs
__scs_entry_jumppad:
0x0: {  	(pc) =	sbr.rel $0x88, $3  }
0x1: {  	(tag) =	ssettag $0x0;
	lr =	simm.s32 $0x1  }
0x2: {  	[smem:$0x3F9E] =	sst lr;
	_ =	strace $0xD0000000  }
0x3: {  	_ = 	snop  }
0x4: {  	_ = 	snop  }
0x5: {  	_ = 	snop  }
0x6: {  	_ = 	snop  }
0x7: {  	_ = 	snop  }
__scs_overlays_trampoline_lowered:
0x8: {  	[smem:$0x3FAD] =	sst s0  }
0x9: {  	[smem:$0x3FAE] =	sst s1  }
0xa: {  	[smem:$0x3FAF] =	sst s2  }
0xb: {  	[smem:$0x3FB0] =	sst s3  }
0xc: {  	[smem:$0x3FB1] =	sst s4  }
0xd: {  	[smem:$0x3FB2] =	sst s5  }
0xe: {  	[smem:$0x3FB3] =	sst s6  }
0xf: {  	[smem:$0x3FB4] =	sst s7  }
0x10: {  	[smem:$0x3FB5] =	sst s8  }
0x11: {  	[smem:$0x3FB6] =	sst s9;
	s0 =	simm.s32 @!p0 $0x0  }
0x12: {  	s1 =	sld [smem:$0x3F9C];
	s0 =	simm.s32 @p0 $0x1  }
0x13: {  	[smem:$0x3FB7] =	sst s0;
	s0 =	simm.s32 @!p1 $0x0  }
0x14: {  	s2 =	sld [smem:$0x3F9B];
	s0 =	simm.s32 @p1 $0x1  }
0x15: {  	[smem:$0x3FB8] =	sst s0;
	s0 =	simm.s32 @!p2 $0x0  }
0x16: {  	s3 =	sld [smem:$0x3FDB];
	s0 =	simm.s32 @p2 $0x1  }
0x17: {  	s4 =	simm.s32 $0x1BF5;
	[smem:$0x3FBA] =	sst s0  }
0x18: {  	s0 =	sld [smem:$0x3F9D];
	_ =	swait.ge [sflag:s4], $0x0  }
0x19: {  	s7 =	sld [smem:$0x3F9E]  }
0x1a: {  	s8 =	sadd.s32 $0xFFFFE003, lr  }
0x1b: {  	s9 =	sadd.s32 $0xFFFFFEF7, lr;
	s5 =	simm.s32 $0xFFFFFFFF;
	p2 =	slt.u32 s8, $0xFFFFF086  }
0x1c: {  	p1 =	slt.u32 s9, $0xF7A;
	s5 =	simm.s32 @!p2 $0x0  }
0x1d: {  	s5 =	simm.s32 @p1 $0x1;
	p0 =	seq.s32 s7, s2  }
0x1e: {  	s7 =	smul.u32 @!p0 $0xF7A, s2;
	p2 =	seq.s32 @!p0 s5, $0x0  }
0x1f: {  	s9 =	smul.u32 $0xF7A, s1;
	s8 =	simm.s32 @!p0 $0x1BF5;
	p2 =	por !p2, p0  }
0x20: {  	[sflag:s8] =	ssyncset.s32 @!p0 $0xFFFFF086;
	s6 =	sadd.s32 @!p0 s3, s7;
	s7 =	simm.s32 @!p0 $0x108  }
0x21: {  	s3 =	sadd.s32 s3, s9;
	s6 =	sadd.s32 @!p0 $0x88, s6;
	s7 =	simm.s32 @p2 $0x1082  }
0x22: {  	[simem:s7], [sflag:s8] =	dma.local @!p0 [hbm:s6], $0xF7A  }
0x23: {  	s9 =	sor.u32 $0xD0000000, s2;
	s6 =	simm.s32 $0x108;
	_ =	swait.ge @!p0 [sflag:s8], $0x0  }
0x24: {  	s3 =	sadd.s32 $0x88, s3;
	s6 =	simm.s32 @!p1 $0x1082;
	[sflag:s4] =	ssyncset.s32 $0xFFFFF086  }
0x25: {  	[simem:s6], [sflag:s4] =	dma.local [hbm:s3], $0xF7A  }
0x26: {  	[smem:$0x3F9E] =	sst s1;
	(tag) =	ssettag s2;
	_ =	strace s9  }
0x27: {  	s1 =	sld [smem:$0x3FAE]  }
0x28: {  	s2 =	sld [smem:$0x3FAF]  }
0x29: {  	s4 =	sld [smem:$0x3FB1]  }
0x2a: {  	p0 =	seq.s32 s5, $0x0;
	s5 =	sld [smem:$0x3FB2]  }
0x2b: {  	s6 =	sld [smem:$0x3FB3]  }
0x2c: {  	s7 =	sld [smem:$0x3FB4]  }
0x2d: {  	s3 =	simm.s32 $0x108;
	s8 =	sld [smem:$0x3FB5]  }
0x2e: {  	s3 =	simm.s32 @!p0 $0x1082;
	s9 =	sld [smem:$0x3FB6]  }
0x2f: {  	lr =	sadd.s32 s0, s3;
	s0 =	sld [smem:$0x3FAD]  }
0x30: {  	s3 =	sld [smem:$0x3FB0]  }
0x31: {  	[smem:$0x3FB9] =	sst s10  }
0x32: {  	s10 =	sld [smem:$0x3FB7];
	_ =	sdelay $0x3  }
0x33: {  	p0 =	seq.s32 s10, $0x1;
	s10 =	sld [smem:$0x3FB9];
	_ =	sdelay $0x3  }
0x34: {  	[smem:$0x3FB9] =	sst s10  }
0x35: {  	s10 =	sld [smem:$0x3FB8];
	_ =	sdelay $0x3  }
0x36: {  	p1 =	seq.s32 s10, $0x1;
	s10 =	sld [smem:$0x3FB9];
	_ =	sdelay $0x3  }
0x37: {  	[smem:$0x3FB9] =	sst s10  }
0x38: {  	s10 =	sld [smem:$0x3FBA]  }
0x39: {  	_ = 	snop;
	(pc) =	sbr.ind lr, $3  }
0x3a: {  	_ = 	snop  }
0x3b: {  	_ = 	snop  }
0x3c: {  	p2 =	seq.s32 s10, $0x1;
	s10 =	sld [smem:$0x3FB9]  }
0x3d: {  	_ =	shalt  }
0x3e: {  	_ =	shalt  }
0x3f: {  	_ =	shalt  }
0x40: {  	_ =	shalt  }
0x41: {  	_ =	shalt  }
0x42: {  	_ =	shalt  }
0x43: {  	_ =	shalt  }
0x44: {  	_ =	shalt  }
0x45: {  	_ =	shalt  }
0x46: {  	_ =	shalt  }
0x47: {  	_ =	shalt  }
0x48: {  	_ =	shalt  }
0x49: {  	_ =	shalt  }
0x4a: {  	_ =	shalt  }
0x4b: {  	_ =	shalt  }
0x4c: {  	_ =	shalt  }
0x4d: {  	_ =	shalt  }
0x4e: {  	_ =	shalt  }
0x4f: {  	_ =	shalt  }
0x50: {  	_ =	shalt  }
0x51: {  	_ =	shalt  }
0x52: {  	_ =	shalt  }
0x53: {  	_ =	shalt  }
0x54: {  	_ =	shalt  }
0x55: {  	_ =	shalt  }
0x56: {  	_ =	shalt  }
0x57: {  	_ =	shalt  }
0x58: {  	_ =	shalt  }
0x59: {  	_ =	shalt  }
0x5a: {  	_ =	shalt  }
0x5b: {  	_ =	shalt  }
0x5c: {  	_ =	shalt  }
0x5d: {  	_ =	shalt  }
0x5e: {  	_ =	shalt  }
0x5f: {  	_ =	shalt  }
0x60: {  	_ =	shalt  }
0x61: {  	_ =	shalt  }
0x62: {  	_ =	shalt  }
0x63: {  	_ =	shalt  }
0x64: {  	_ =	shalt  }
0x65: {  	_ =	shalt  }
0x66: {  	_ =	shalt  }
0x67: {  	_ =	shalt  }
0x68: {  	_ =	shalt  }
0x69: {  	_ =	shalt  }
0x6a: {  	_ =	shalt  }
0x6b: {  	_ =	shalt  }
0x6c: {  	_ =	shalt  }
0x6d: {  	_ =	shalt  }
0x6e: {  	_ =	shalt  }
0x6f: {  	_ =	shalt  }
0x70: {  	_ =	shalt  }
0x71: {  	_ =	shalt  }
0x72: {  	_ =	shalt  }
0x73: {  	_ =	shalt  }
0x74: {  	_ =	shalt  }
0x75: {  	_ =	shalt  }
0x76: {  	_ =	shalt  }
0x77: {  	_ =	shalt  }
0x78: {  	_ =	shalt  }
0x79: {  	_ =	shalt  }
0x7a: {  	_ =	shalt  }
0x7b: {  	_ =	shalt  }
0x7c: {  	_ =	shalt  }
0x7d: {  	_ =	shalt  }
0x7e: {  	_ =	shalt  }
0x7f: {  	_ =	shalt  }
0x80: {  	_ =	shalt  }
0x81: {  	_ =	shalt  }
0x82: {  	_ =	shalt  }
0x83: {  	_ =	shalt  }
0x84: {  	_ =	shalt  }
0x85: {  	_ =	shalt  }
0x86: {  	_ =	shalt  }
0x87: {  	_ =	shalt  }
.Lfunc_end0:
.L_simem_size_0:
called_computation_lowered:
.L_overlay_start_0:
0x88: {  	s2 =	sld [smem:$0x3FD9]  }
0x89: {  	s3 =	sld [smem:$0x3FFE];
	_ =	sdelay $0x1  }
0x8a: {  	s1 =	srdreg.scid  }
0x8b: {  	s0 =	sand.u32 $0x1, s1  }
0x8c: {  	s17 =	sshll.u32 s0, $0xA;
	s2 =	sadd.s32 s3, s2  }
0x8d: {  	s2 =	sadd.s32 s2, s17  }
0x8e: {  	[smem:$0x3FC5] =	sst s2  }
0x8f: {  	_ = 	snop  }
0x90: {  	s2 =	sld [smem:$0x3FD0];
	(tm) =	ssettm $0x1  }
0x91: {  	s18 =	sld [smem:$0x3FFB];
	_ =	sdelay $0x3  }
0x92: {  	_ =	strace s18  }
0x93: {  	s3 =	sld [smem:$0x3FFC];
	_ =	sdelay $0x3  }
0x94: {  	_ =	strace s3  }
0x95: {  	s3 =	sld [smem:$0x3FFD];
	_ =	sdelay $0x3  }
0x96: {  	_ =	strace s3  }
0x97: {  	_ =	strace $0x8FFFFFFF  }
0x98: {  	s19 =	sld [smem:$0x3FDB];
	_ =	sdelay $0x1  }
0x99: {  	s4 =	simm.s32 $_scs_section_size  }
0x9a: {  	s5 =	simm.s32 $_size__tile_overlayer_lowered;
	s6 =	simm.s32 $_tile_overlayer_lowered  }
0x9b: {  	s22 =	simm.s32 $0x1BFF;
	s21 =	sshll.u32 s6, $0x1;
	s3 =	sadd.s32 s4, s19  }
0x9c: {  	s7 =	simm.s32 $0x0;
	s20 =	sshll.u32 s5, $0x1;
	s5 =	sadd.s32 s21, s3  }
0x9d: {  	[timem:s7], [sflag:s22] =	dma.local [hbm:s5], s20  }
0x9e: {  	_ =	swait.ge [sflag:s22], s20  }
0x9f: {  	s4 =	ssub.s32 $0x0, s20;
	[sflag:s22] =	ssyncset.done $0x0  }
0xa0: {  	[sflag:s22] =	ssyncadd.s32 s4;
	_ =	sdelay $0x1  }
0xa1: {  	s23 =	simm.s32 $0x1B8B  }
0xa2: {  	_ =	swait.ge [sflag:s23], $0x1  }
0xa3: {  	[sflag:s23] =	ssyncset.done $0x0  }
0xa4: {  	s25 =	simm.s32 $0x1B8E;
	s24 =	sld [smem:$0x3FFE];
	[sflag:s23] =	ssyncadd.s32 $0xFFFFFFFF  }
0xa5: {  	s26 =	simm.s32 $execute0_lowered;
	[smem:$0x3FD2] =	sst s25  }
0xa6: {  	s5 =	sshll.u32 s26, $0x1;
	_ =	strace $0x80000046;
	[dreg:$0x1] =	wrdreg $0xFFFFFFFF  }
0xa7: {  	s28 =	simm.s32 $_size_execute0_lowered;
	s3 =	sadd.s32 s3, s5;
	[dreg:$0x0] =	wrdreg $0x0  }
0xa8: {  	s5 =	sshll.u32 s28, $0x1;
	[dreg:$0x2] =	wrdreg s3  }
0xa9: {  	[dreg:$0x3] =	wrdreg s5  }
0xaa: {  	[dreg:$0x4] =	wrdreg $0xC0  }
0xab: {  	_ =	task [dreg:s7], $0x5FFFF  }
0xac: {  	[dreg:$0x1] =	wrdreg $0xFFFFFFFF  }
0xad: {  	[dreg:$0x0] =	wrdreg $0x60  }
0xae: {  	[dreg:$0x2] =	wrdreg s24  }
0xaf: {  	[dreg:$0x3] =	wrdreg s2  }
0xb0: {  	[dreg:$0x4] =	wrdreg $0x9  }
0xb1: {  	_ =	task.clear_ibuf [dreg:s7], $0x5FFFF;
	_ =	strace $0x90000046  }
0xb2: {  	s29 =	simm.s32 $0x9;
	_ =	strace $0x80000048  }
0xb3: {  	_ =	swait.ge [sflag:s29], $0x1  }
0xb4: {  	[sflag:s29] =	ssyncadd.s32 $0xFFFFFFFF  }
0xb5: {  	_ =	strace $0x90000048  }
0xb6: {  	_ =	sfence  }
0xb7: {  	s30 =	sld [smem:$0x0];
	_ =	sdelay $0x2  }
0xb8: {  	s31 =	sshll.u32 s1, $0xD;
	s1 =	sshrl.u32 s1, $0x2  }
0xb9: {  	s3 =	sand.u32 $0x4000, s31;
	s1 =	sadd.s32 s1, s30  }
0xba: {  	s0 =	sor.u32 s3, s0;
	s1 =	sshll.u32 s1, $0x11  }
0xbb: {  	s0 =	sor.u32 s1, s0  }
0xbc: {  	s0 =	sadd.s32 $0x8F2B, s0  }
0xbd: {  	[sflag:s0] =	ssyncadd.remote.s32 $0x1  }
0xbe: {  	_ =	sfence.sel $0xFFFF  }
0xbf: {  	[dreg:$0x0] =	wrdreg $0xFFFFFFFF;
	(pc) =	sbr.abs _section_cstart, $3  }
0xc0: {  	[dreg:$0x1] =	wrdreg $0xFFFFFFFF  }
0xc1: {  	_ =	task.clear_ibuf [dreg:s7], $0x2FFFF;
	_ =	strace $0x9FFFFFFF  }
0xc2: {  	(tm) =	ssettm $0x7FFFFFFF  }
0xc3: {  	_ =	shalt  }
tec
execute0_lowered:
.L_overlay_start_1:
0x0: {  	(tag) =	ssettag $0x1  }
0x1: {  	s1 =	srdreg.scid;
	s7 =	rddreg [dreg:$0x0]  }
0x2: {  	s0 =	stileid.u32;
	s2 =	rddreg [dreg:$0x1];
	s3 =	simm.s32 $0x0  }
0x3: {  	s11 =	simm.s32 $0x800;
	s12 =	simm.s32 $0x3B80;
	s13 =	simm.s32 $0x1  }
0x4: {  	s14 =	simm.s32 $0x6F00;
	s15 =	simm.s32 $0xCF00;
	s1 =	sand.u32 $0x1, s1  }
0x5: {  	s16 =	simm.s32 $0x2;
	s4 =	sshll.u32 s0, $0xC;
	s5 =	sshll.u32 s1, $0xB  }
0x6: {  	s17 =	simm.s32 $0x3;
	[smem:$0x7FF] =	sst s3;
	s4 =	sor.u32 s5, s4  }
0x7: {  	s28 =	sadd.s32 $0x2A00, s7;
	s29 =	sadd.s32 $0x3200, s7;
	s8 =	sshrl.u32 s4, $0x3  }
0x8: {  	_ =	strace $0x80000047;
	[dreg:$0x3] =	wrdreg s28;
	s9 =	smul.u32 $0x300, s8  }
0x9: {  	[dreg:$0x4] =	wrdreg s29;
	s1 =	ssub.s32 $0x2, s1;
	s8 =	sadd.s32 s8, s7  }
0xa: {  	s10 =	sshrl.u32 s1, $0x1;
	s30 =	sadd.s32 $0xA00, s8;
	s7 =	sadd.s32 s2, s9  }
0xb: {  	s1 =	ssub.s32 s1, s10;
	[dreg:$0x5] =	wrdreg s30;
	s31 =	sadd.s32 $0xC00, s7  }
0xc: {  	v0 =	vlaneseq.u32;
	s18 =	simm.s32 $0x0;
	s10 =	smax.u32 s1, $0x1;
	[dreg:$0x6] =	wrdreg s31  }
.LBB2_1:
0xd: {  	s0 =	rddreg [dreg:$0x5]  }
0xe: {  	[tilespmem:s3], [sflag:$0x1] =	stream.linear.gather [hbm4b:s0+s3], $0x800, $0x38;
	[tilespmem:$0x12F00] =	vst v63  }
0xf: {  	s29 =	rddreg [dreg:$0x3]  }
0x10: {  	[tilespmem:s11], [sflag:$0x1] =	stream.linear.gather [hbm4b:s29+s3], $0x3380, $0x38;
	[tilespmem:$0x12F00] =	vst v63  }
0x11: {  	s30 =	rddreg [dreg:$0x4]  }
0x12: {  	[tilespmem:s12], [sflag:$0x1] =	stream.linear.gather [hbm4b:s30+s3], $0x3380, $0x38;
	[tilespmem:$0x12F00] =	vst v63  }
0x13: {  	_ =	swait.ge [sflag:s13], $0x800  }
0x14: {  	[sflag:s13] =	ssyncset.done $0x0  }
0x15: {  	[sflag:s13] =	ssyncadd.s32 $0xFFFFF800  }
0x16: {  	_ =	swait.ge [sflag:s13], $0x3380  }
0x17: {  	[sflag:s13] =	ssyncset.done $0x0  }
0x18: {  	[sflag:s13] =	ssyncadd.s32 $0xFFFFCC80  }
0x19: {  	_ =	swait.ge [sflag:s13], $0x3380  }
0x1a: {  	[sflag:s13] =	ssyncset.done $0x0  }
0x1b: {  	[sflag:s13] =	ssyncadd.s32 $0xFFFFCC80  }
0x1c: {  	[hbm4b:s7+s3] =	stream.linear.scatter [tilespmem:s14], [sflag:$0x2], $0x6000, $0x38;
	[tilespmem:$0x12F00] =	vst v63  }
0x1d: {  	s19 =	simm.s32 $0x0;
	s31 =	rddreg [dreg:$0x6]  }
0x1e: {  	[hbm4b:s31+s3] =	stream.linear.scatter [tilespmem:s15], [sflag:$0x3], $0x6000, $0x38;
	[tilespmem:$0x12F00] =	vst v63  }
.LBB2_2:
0x1f: {  	_ =	swait.ge [sflag:s16], $0x6000  }
0x20: {  	[sflag:s16] =	ssyncset.done $0x0  }
0x21: {  	s20 =	sshll.u32 s19, $0x6;
	[sflag:s16] =	ssyncadd.s32 $0xFFFFA000  }
0x22: {  	v1 =	vld [tilespmem:s20+$0x0];
	_ =	sdelay $0x4  }
0x23: {  	s21 =	simm.s32 $0x0;
	p0 =	por $0x0, $0x0;
	v2 =	vshrl.u32 v1, $0x6;
	v3 =	vand.u32 $0x3F, v1  }
0x24: {  	s22 =	simm.s32 $0x0;
	s23 =	simm.s32 $0x0;
	s24 =	simm.s32 $0x0;
	v1 =	vmul.u32 $0x181, v2;
	v2 =	vmul.u32 $0x181, v3  }
.LBB2_3:
0x25: {  	v4 =	vmov s24  }
0x26: {  	v3 =	vperm.xlane v1, v4  }
0x27: {  	v5 =	vor.u32 s21, v0;
	s1 =	simm.s32 $0x60  }
0x28: {  	s25 =	simm.s32 $0x50;
	v6 =	vor.u32 s1, v0;
	v7 =	vadd.s32 v3, v5  }
0x29: {  	s0 =	simm.s32 $0x10;
	v8 =	vor.u32 s25, v0;
	v9 =	vadd.s32 v3, v6  }
0x2a: {  	s5 =	simm.s32 $0x40;
	v10 =	vor.u32 s0, v0;
	v11 =	vadd.s32 v3, v8  }
0x2b: {  	s6 =	simm.s32 $0x20;
	v12 =	vor.u32 s5, v0;
	v13 =	vadd.s32 v3, v10  }
0x2c: {  	s8 =	simm.s32 $0x30;
	v14 =	vor.u32 s6, v0;
	v15 =	vadd.s32 v3, v12  }
0x2d: {  	s9 =	sshrl.u32 s24, $0x3;
	s26 =	simm.s32 $0x1;
	v4 =	vperm.xlane v2, v4;
	v17 =	vor.u32 s8, v0;
	v16 =	vadd.s32 v3, v14;
	v7 =	vld.idx.msk [tilespmem:v7+s11+$0x0], $0xffff  }
0x2e: {  	s0 =	smul.u32 $0x6000, s9;
	s26 =	simm.s32 @!p0 $0x0;
	v18 =	vadd.s32 v3, v17;
	v9 =	vld.idx.msk [tilespmem:v9+s11+$0x0], $0xffff  }
0x2f: {  	s5 =	sshll.u32 s26, $0xB;
	v5 =	vadd.s32 v4, v5;
	v11 =	vld.idx.msk [tilespmem:v11+s11+$0x0], $0xffff  }
0x30: {  	s25 =	sor.u32 s5, s0;
	v6 =	vadd.s32 v4, v6;
	v13 =	vld.idx.msk [tilespmem:v13+s11+$0x0], $0xffff  }
0x31: {  	v8 =	vadd.s32 v4, v8;
	s25 =	sshra.s32 s25, $0x2;
	v15 =	vld.idx.msk [tilespmem:v15+s11+$0x0], $0xffff  }
0x32: {  	v12 =	vadd.s32 v4, v12;
	s29 =	sadd.s32 $0x7B70, s25;
	v16 =	vld.idx.msk [tilespmem:v16+s11+$0x0], $0xffff  }
0x33: {  	s6 =	simm.s32 $0x70;
	[tilespmem:s29+$0xFFFFF390] =	vst v7;
	v7 =	vld.idx.msk [tilespmem:v18+s11+$0x0], $0xffff  }
0x34: {  	v20 =	vor.u32 s6, v0;
	v19 =	vadd.s32 v4, v10;
	[tilespmem:s29+$0xFFFFF3F0] =	vst v9;
	v5 =	vld.idx.msk [tilespmem:v5+s12+$0x0], $0xffff  }
0x35: {  	v63 =	vadd.s32 v3, v20;
	[tilespmem:s29+$0xFFFFF3E0] =	vst v11;
	v10 =	vld.idx.msk [tilespmem:v6+s12+$0x0], $0xffff  }
0x36: {  	s9 =	sand.u32 $0x3, s22;
	v14 =	vadd.s32 v4, v14;
	[tilespmem:s29+$0xFFFFF3D0] =	vst v15;
	v9 =	vld.idx.msk [tilespmem:v8+s12+$0x0], $0xffff  }
0x37: {  	s8 =	sand.u32 $0x7, s23;
	s26 =	sshll.u32 s9, $0xA;
	v8 =	vld.idx.msk [tilespmem:v12+s12+$0x0], $0xffff;
	v12 =	vadd.s32 v4, v17  }
0x38: {  	s1 =	sor.u32 s26, s0;
	s25 =	sshll.u32 s8, $0x9;
	[tilespmem:s29+$0xFFFFF3A0] =	vst v13  }
0x39: {  	s1 =	sshra.s32 s1, $0x2;
	s25 =	sor.u32 s25, s0;
	[tilespmem:s29+$0xFFFFF3B0] =	vst v16;
	v6 =	vld.idx.msk [tilespmem:v19+s12+$0x0], $0xffff  }
0x3a: {  	s30 =	simm.s32 $0x80;
	s26 =	sadd.s32 $0x7C70, s1;
	s28 =	sshra.s32 s25, $0x2;
	v11 =	vld.idx.msk [tilespmem:v63+s11+$0x0], $0xffff;
	[tilespmem:s29+$0xFFFFF3C0] =	vst v7  }
0x3b: {  	s31 =	sadd.s32 $0x400, s29;
	s25 =	sadd.s32 $0x7CF0, s28;
	s28 =	sadd.s32 $0x7BF0, s28;
	v7 =	vadd.s32 v4, v20;
	[tilespmem:s29+$0xFFFFFF90] =	vst v5;
	v5 =	vld.idx.msk [tilespmem:v14+s12+$0x0], $0xffff  }
.LBB2_4:
0x3c: {  	v13 =	vor.u32 s30, v0;
	s1 =	sadd.s32 $0x40, s30;
	s0 =	sadd.s32 $0x50, s30;
	s5 =	sadd.s32 $0x60, s30;
	v12 =	vld.idx.msk [tilespmem:v12+s12+$0x0], $0xffff;
	[tilespmem:s29+$0xFFFFFFF0] =	vst v10  }
0x3d: {  	s6 =	sadd.s32 $0x10, s30;
	s8 =	sadd.s32 $0x20, s30;
	v10 =	vor.u32 s1, v0;
	v14 =	vor.u32 s0, v0;
	v15 =	vor.u32 s5, v0;
	s0 =	sadd.s32 $0x70, s30;
	[tilespmem:s29+$0xFFFFFFE0] =	vst v9  }
0x3e: {  	p1 =	slt.u32 s30, $0x100;
	v9 =	vadd.s32 v3, v13;
	v16 =	vor.u32 s6, v0;
	v17 =	vor.u32 s8, v0;
	s1 =	sadd.s32 $0x30, s30;
	s30 =	sadd.s32 $0x80, s30;
	[tilespmem:s29+$0xFFFFFFA0] =	vst v6  }
0x3f: {  	v6 =	vadd.s32 v3, v16;
	v18 =	vadd.s32 v3, v17;
	v19 =	vadd.s32 v3, v15;
	[tilespmem:s29+$0xFFFFFFD0] =	vst v8  }
0x40: {  	v20 =	vadd.s32 v3, v14;
	v21 =	vor.u32 s0, v0;
	v8 =	vor.u32 s1, v0;
	[tilespmem:s29+$0xFFFFF400] =	vst v11  }
0x41: {  	v22 =	vadd.s32 v3, v10;
	v23 =	vadd.s32 v3, v21;
	v11 =	vadd.s32 v3, v8;
	v7 =	vld.idx.msk [tilespmem:v7+s12+$0x0], $0xffff  }
0x42: {  	[tilespmem:s29+$0xFFFFFFC0] =	vst v12  }
0x43: {  	v9 =	vld.idx.msk [tilespmem:v9+s11+$0x0], $0xffff;
	[tilespmem:s29+$0xFFFFFFB0] =	vst v5  }
0x44: {  	v5 =	vld.idx.msk [tilespmem:v19+s11+$0x0], $0xffff  }
0x45: {  	v12 =	vadd.s32 v4, v13;
	v13 =	vld.idx.msk [tilespmem:v20+s11+$0x0], $0xffff  }
0x46: {  	v15 =	vadd.s32 v4, v15;
	v6 =	vld.idx.msk [tilespmem:v6+s11+$0x0], $0xffff  }
0x47: {  	v14 =	vadd.s32 v4, v14;
	v19 =	vld.idx.msk [tilespmem:v22+s11+$0x0], $0xffff;
	[tilespmem:s29+$0x0] =	vst v7;
	s29 =	smov.u32 s31  }
0x48: {  	v16 =	vadd.s32 v4, v16;
	v18 =	vld.idx.msk [tilespmem:v18+s11+$0x0], $0xffff  }
0x49: {  	v20 =	vadd.s32 v4, v10;
	[tilespmem:s31+$0xFFFFF390] =	vst v9;
	v11 =	vld.idx.msk [tilespmem:v11+s11+$0x0], $0xffff  }
0x4a: {  	v22 =	vld.idx.msk [tilespmem:v12+s12+$0x0], $0xffff;
	[tilespmem:s31+$0xFFFFF3F0] =	vst v5  }
0x4b: {  	v7 =	vadd.s32 v4, v21;
	v5 =	vadd.s32 v4, v17;
	[tilespmem:s31+$0xFFFFF3E0] =	vst v13;
	v10 =	vld.idx.msk [tilespmem:v15+s12+$0x0], $0xffff  }
.Ltmp0:
0x4c: {  	v12 =	vadd.s32 v4, v8;
	[tilespmem:s31+$0xFFFFF3A0] =	vst v6;
	v9 =	vld.idx.msk [tilespmem:v14+s12+$0x0], $0xffff;
	(pc) =	sbr.rel @p1 .LBB2_4-.Ltmp0, $4  }
0x4d: {  	v6 =	vld.idx.msk [tilespmem:v16+s12+$0x0], $0xffff;
	[tilespmem:s31+$0xFFFFF3D0] =	vst v19  }
0x4e: {  	[tilespmem:s31+$0xFFFFF3B0] =	vst v18;
	v8 =	vld.idx.msk [tilespmem:v20+s12+$0x0], $0xffff  }
0x4f: {  	[tilespmem:s31+$0xFFFFF3C0] =	vst v11;
	v11 =	vld.idx.msk [tilespmem:v23+s11+$0x0], $0xffff  }
0x50: {  	s31 =	sadd.s32 $0x400, s31;
	[tilespmem:s29+$0xFFFFFF90] =	vst v22;
	v5 =	vld.idx.msk [tilespmem:v5+s12+$0x0], $0xffff  }
0x51: {  	s0 =	sor.u32 $0x1, s24  }
0x52: {  	v4 =	vmov s0  }
0x53: {  	s9 =	simm.s32 $0x0;
	v3 =	vperm.xlane v1, v4  }
0x54: {  	s31 =	simm.s32 $0x60;
	v13 =	vor.u32 s9, v0  }
0x55: {  	s1 =	simm.s32 $0x50;
	v14 =	vor.u32 s31, v0;
	v15 =	vadd.s32 v3, v13  }
0x56: {  	s5 =	simm.s32 $0x10;
	v16 =	vor.u32 s1, v0;
	v17 =	vadd.s32 v3, v14  }
0x57: {  	s6 =	simm.s32 $0x40;
	v18 =	vor.u32 s5, v0;
	v19 =	vadd.s32 v3, v16  }
0x58: {  	v12 =	vld.idx.msk [tilespmem:v12+s12+$0x0], $0xffff;
	s8 =	simm.s32 $0x20;
	[tilespmem:s29+$0xFFFFF400] =	vst v11;
	v11 =	vor.u32 s6, v0;
	v20 =	vadd.s32 v3, v18  }
0x59: {  	[tilespmem:s29+$0xFFFFFFF0] =	vst v10;
	v10 =	vor.u32 s8, v0;
	s9 =	simm.s32 $0x30;
	v7 =	vld.idx.msk [tilespmem:v7+s12+$0x0], $0xffff;
	v21 =	vadd.s32 v3, v11  }
0x5a: {  	[tilespmem:s29+$0xFFFFFFE0] =	vst v9;
	v4 =	vperm.xlane v2, v4;
	v22 =	vor.u32 s9, v0;
	v9 =	vadd.s32 v3, v10;
	v15 =	vld.idx.msk [tilespmem:v15+s11+$0x0], $0xffff  }
0x5b: {  	[tilespmem:s29+$0xFFFFFFA0] =	vst v6;
	v6 =	vadd.s32 v3, v22;
	v17 =	vld.idx.msk [tilespmem:v17+s11+$0x0], $0xffff  }
0x5c: {  	[tilespmem:s29+$0xFFFFFFD0] =	vst v8;
	v8 =	vadd.s32 v4, v13;
	v13 =	vld.idx.msk [tilespmem:v19+s11+$0x0], $0xffff  }
0x5d: {  	v14 =	vadd.s32 v4, v14;
	[tilespmem:s29+$0xFFFFFFC0] =	vst v12;
	v12 =	vld.idx.msk [tilespmem:v20+s11+$0x0], $0xffff  }
0x5e: {  	[tilespmem:s29+$0xFFFFFFB0] =	vst v5;
	v16 =	vadd.s32 v4, v16;
	v5 =	vld.idx.msk [tilespmem:v21+s11+$0x0], $0xffff  }
0x5f: {  	[tilespmem:s29+$0x0] =	vst v7;
	v7 =	vadd.s32 v4, v18;
	v60 =	vld.idx.msk [tilespmem:v9+s11+$0x0], $0xffff  }
0x60: {  	s31 =	simm.s32 $0x70;
	v11 =	vadd.s32 v4, v11;
	v6 =	vld.idx.msk [tilespmem:v6+s11+$0x0], $0xffff;
	[tilespmem:s28+$0xFFFFF390] =	vst v15  }
0x61: {  	v61 =	vor.u32 s31, v0;
	v63 =	vadd.s32 v4, v10;
	[tilespmem:s28+$0xFFFFF3F0] =	vst v17;
	v62 =	vld.idx.msk [tilespmem:v8+s12+$0x0], $0xffff  }
0x62: {  	v15 =	vadd.s32 v3, v61;
	[tilespmem:s28+$0xFFFFF3E0] =	vst v13;
	v10 =	vld.idx.msk [tilespmem:v14+s12+$0x0], $0xffff  }
0x63: {  	[tilespmem:s28+$0xFFFFF3A0] =	vst v12;
	v12 =	vadd.s32 v4, v22;
	v9 =	vld.idx.msk [tilespmem:v16+s12+$0x0], $0xffff  }
0x64: {  	[tilespmem:s28+$0xFFFFF3D0] =	vst v5;
	v8 =	vld.idx.msk [tilespmem:v7+s12+$0x0], $0xffff  }
0x65: {  	[tilespmem:s28+$0xFFFFF3B0] =	vst v60;
	v7 =	vld.idx.msk [tilespmem:v11+s12+$0x0], $0xffff  }
0x66: {  	[tilespmem:s28+$0xFFFFF3C0] =	vst v6;
	v5 =	vld.idx.msk [tilespmem:v63+s12+$0x0], $0xffff  }
0x67: {  	s30 =	sadd.s32 $0x400, s28;
	s29 =	simm.s32 $0x80;
	v6 =	vadd.s32 v4, v61;
	v11 =	vld.idx.msk [tilespmem:v15+s11+$0x0], $0xffff;
	[tilespmem:s28+$0xFFFFFF90] =	vst v62  }
.LBB2_6:
0x68: {  	v13 =	vor.u32 s29, v0;
	s0 =	sadd.s32 $0x40, s29;
	s1 =	sadd.s32 $0x50, s29;
	s5 =	sadd.s32 $0x60, s29;
	v12 =	vld.idx.msk [tilespmem:v12+s12+$0x0], $0xffff;
	[tilespmem:s28+$0xFFFFFFF0] =	vst v10  }
0x69: {  	s6 =	sadd.s32 $0x10, s29;
	s8 =	sadd.s32 $0x20, s29;
	v10 =	vor.u32 s0, v0;
	v14 =	vor.u32 s1, v0;
	v15 =	vor.u32 s5, v0;
	s0 =	sadd.s32 $0x70, s29;
	[tilespmem:s28+$0xFFFFFFE0] =	vst v9  }
0x6a: {  	p1 =	slt.u32 s29, $0x100;
	v9 =	vadd.s32 v3, v13;
	v16 =	vor.u32 s6, v0;
	v17 =	vor.u32 s8, v0;
	s1 =	sadd.s32 $0x30, s29;
	s29 =	sadd.s32 $0x80, s29;
	[tilespmem:s28+$0xFFFFFFA0] =	vst v8  }
0x6b: {  	v8 =	vadd.s32 v3, v16;
	v18 =	vadd.s32 v3, v17;
	v19 =	vadd.s32 v3, v15;
	[tilespmem:s28+$0xFFFFFFD0] =	vst v7  }
0x6c: {  	v20 =	vadd.s32 v3, v14;
	v21 =	vor.u32 s0, v0;
	v7 =	vor.u32 s1, v0;
	[tilespmem:s28+$0xFFFFF400] =	vst v11  }
0x6d: {  	v22 =	vadd.s32 v3, v10;
	v23 =	vadd.s32 v3, v21;
	v11 =	vadd.s32 v3, v7;
	v6 =	vld.idx.msk [tilespmem:v6+s12+$0x0], $0xffff  }
0x6e: {  	[tilespmem:s28+$0xFFFFFFC0] =	vst v12  }
0x6f: {  	v9 =	vld.idx.msk [tilespmem:v9+s11+$0x0], $0xffff;
	[tilespmem:s28+$0xFFFFFFB0] =	vst v5  }
0x70: {  	v5 =	vld.idx.msk [tilespmem:v19+s11+$0x0], $0xffff  }
0x71: {  	v12 =	vadd.s32 v4, v13;
	v13 =	vld.idx.msk [tilespmem:v20+s11+$0x0], $0xffff  }
0x72: {  	v15 =	vadd.s32 v4, v15;
	v8 =	vld.idx.msk [tilespmem:v8+s11+$0x0], $0xffff  }
0x73: {  	v14 =	vadd.s32 v4, v14;
	v19 =	vld.idx.msk [tilespmem:v22+s11+$0x0], $0xffff;
	[tilespmem:s28+$0x0] =	vst v6;
	s28 =	smov.u32 s30  }
0x74: {  	v16 =	vadd.s32 v4, v16;
	v18 =	vld.idx.msk [tilespmem:v18+s11+$0x0], $0xffff  }
0x75: {  	v20 =	vadd.s32 v4, v10;
	[tilespmem:s30+$0xFFFFF390] =	vst v9;
	v11 =	vld.idx.msk [tilespmem:v11+s11+$0x0], $0xffff  }
0x76: {  	v22 =	vld.idx.msk [tilespmem:v12+s12+$0x0], $0xffff;
	[tilespmem:s30+$0xFFFFF3F0] =	vst v5  }
0x77: {  	v6 =	vadd.s32 v4, v21;
	v5 =	vadd.s32 v4, v17;
	[tilespmem:s30+$0xFFFFF3E0] =	vst v13;
	v10 =	vld.idx.msk [tilespmem:v15+s12+$0x0], $0xffff  }
.Ltmp1:
0x78: {  	v12 =	vadd.s32 v4, v7;
	[tilespmem:s30+$0xFFFFF3A0] =	vst v8;
	v9 =	vld.idx.msk [tilespmem:v14+s12+$0x0], $0xffff;
	(pc) =	sbr.rel @p1 .LBB2_6-.Ltmp1, $4  }
0x79: {  	v8 =	vld.idx.msk [tilespmem:v16+s12+$0x0], $0xffff;
	[tilespmem:s30+$0xFFFFF3D0] =	vst v19  }
0x7a: {  	[tilespmem:s30+$0xFFFFF3B0] =	vst v18;
	v7 =	vld.idx.msk [tilespmem:v20+s12+$0x0], $0xffff  }
0x7b: {  	[tilespmem:s30+$0xFFFFF3C0] =	vst v11;
	v11 =	vld.idx.msk [tilespmem:v23+s11+$0x0], $0xffff  }
0x7c: {  	s30 =	sadd.s32 $0x400, s30;
	[tilespmem:s28+$0xFFFFFF90] =	vst v22;
	v5 =	vld.idx.msk [tilespmem:v5+s12+$0x0], $0xffff  }
0x7d: {  	s0 =	sor.u32 $0x2, s24  }
0x7e: {  	v4 =	vmov s0  }
0x7f: {  	s1 =	simm.s32 $0x0;
	v3 =	vperm.xlane v1, v4  }
0x80: {  	s5 =	simm.s32 $0x60;
	v13 =	vor.u32 s1, v0  }
0x81: {  	s1 =	simm.s32 $0x50;
	v14 =	vor.u32 s5, v0;
	v15 =	vadd.s32 v3, v13  }
0x82: {  	s6 =	simm.s32 $0x10;
	v16 =	vor.u32 s1, v0;
	v17 =	vadd.s32 v3, v14  }
0x83: {  	s8 =	simm.s32 $0x40;
	v18 =	vor.u32 s6, v0;
	v19 =	vadd.s32 v3, v16  }
0x84: {  	v12 =	vld.idx.msk [tilespmem:v12+s12+$0x0], $0xffff;
	s9 =	simm.s32 $0x20;
	[tilespmem:s28+$0xFFFFF400] =	vst v11;
	v11 =	vor.u32 s8, v0;
	v20 =	vadd.s32 v3, v18  }
0x85: {  	[tilespmem:s28+$0xFFFFFFF0] =	vst v10;
	s30 =	simm.s32 $0x30;
	v10 =	vor.u32 s9, v0;
	v6 =	vld.idx.msk [tilespmem:v6+s12+$0x0], $0xffff;
	v21 =	vadd.s32 v3, v11  }
0x86: {  	[tilespmem:s28+$0xFFFFFFE0] =	vst v9;
	v22 =	vor.u32 s30, v0;
	v4 =	vperm.xlane v2, v4;
	v9 =	vadd.s32 v3, v10;
	v15 =	vld.idx.msk [tilespmem:v15+s11+$0x0], $0xffff  }
0x87: {  	[tilespmem:s28+$0xFFFFFFA0] =	vst v8;
	v8 =	vadd.s32 v3, v22;
	v17 =	vld.idx.msk [tilespmem:v17+s11+$0x0], $0xffff  }
0x88: {  	[tilespmem:s28+$0xFFFFFFD0] =	vst v7;
	v7 =	vadd.s32 v4, v13;
	v13 =	vld.idx.msk [tilespmem:v19+s11+$0x0], $0xffff  }
0x89: {  	v14 =	vadd.s32 v4, v14;
	[tilespmem:s28+$0xFFFFFFC0] =	vst v12;
	v12 =	vld.idx.msk [tilespmem:v20+s11+$0x0], $0xffff  }
0x8a: {  	[tilespmem:s28+$0xFFFFFFB0] =	vst v5;
	v16 =	vadd.s32 v4, v16;
	v5 =	vld.idx.msk [tilespmem:v21+s11+$0x0], $0xffff  }
0x8b: {  	s31 =	simm.s32 $0x70;
	[tilespmem:s28+$0x0] =	vst v6;
	v6 =	vadd.s32 v4, v18;
	v59 =	vld.idx.msk [tilespmem:v9+s11+$0x0], $0xffff  }
0x8c: {  	v60 =	vor.u32 s31, v0;
	v11 =	vadd.s32 v4, v11;
	[tilespmem:s26+$0xFFFFF390] =	vst v15;
	v15 =	vld.idx.msk [tilespmem:v8+s11+$0x0], $0xffff  }
0x8d: {  	v61 =	vadd.s32 v3, v60;
	[tilespmem:s26+$0xFFFFF3F0] =	vst v17;
	v62 =	vld.idx.msk [tilespmem:v7+s12+$0x0], $0xffff  }
0x8e: {  	v63 =	vadd.s32 v4, v10;
	[tilespmem:s26+$0xFFFFF3E0] =	vst v13;
	v10 =	vld.idx.msk [tilespmem:v14+s12+$0x0], $0xffff  }
0x8f: {  	[tilespmem:s26+$0xFFFFF3A0] =	vst v12;
	v12 =	vadd.s32 v4, v22;
	v9 =	vld.idx.msk [tilespmem:v16+s12+$0x0], $0xffff  }
0x90: {  	[tilespmem:s26+$0xFFFFF3D0] =	vst v5;
	v8 =	vld.idx.msk [tilespmem:v6+s12+$0x0], $0xffff  }
0x91: {  	[tilespmem:s26+$0xFFFFF3B0] =	vst v59;
	v7 =	vld.idx.msk [tilespmem:v11+s12+$0x0], $0xffff  }
0x92: {  	v11 =	vld.idx.msk [tilespmem:v61+s11+$0x0], $0xffff;
	[tilespmem:s26+$0xFFFFF3C0] =	vst v15  }
0x93: {  	s29 =	sadd.s32 $0x400, s26;
	s28 =	simm.s32 $0x80;
	v6 =	vadd.s32 v4, v60;
	v5 =	vld.idx.msk [tilespmem:v63+s12+$0x0], $0xffff;
	[tilespmem:s26+$0xFFFFFF90] =	vst v62  }
.LBB2_8:
0x94: {  	v13 =	vor.u32 s28, v0;
	s0 =	sadd.s32 $0x40, s28;
	s1 =	sadd.s32 $0x50, s28;
	s5 =	sadd.s32 $0x60, s28;
	v12 =	vld.idx.msk [tilespmem:v12+s12+$0x0], $0xffff;
	[tilespmem:s26+$0xFFFFFFF0] =	vst v10  }
0x95: {  	s6 =	sadd.s32 $0x10, s28;
	s8 =	sadd.s32 $0x20, s28;
	v10 =	vor.u32 s0, v0;
	v14 =	vor.u32 s1, v0;
	v15 =	vor.u32 s5, v0;
	s0 =	sadd.s32 $0x70, s28;
	[tilespmem:s26+$0xFFFFFFE0] =	vst v9  }
0x96: {  	p1 =	slt.u32 s28, $0x100;
	v9 =	vadd.s32 v3, v13;
	v16 =	vor.u32 s6, v0;
	v17 =	vor.u32 s8, v0;
	s1 =	sadd.s32 $0x30, s28;
	s28 =	sadd.s32 $0x80, s28;
	[tilespmem:s26+$0xFFFFFFA0] =	vst v8  }
0x97: {  	v8 =	vadd.s32 v3, v16;
	v18 =	vadd.s32 v3, v17;
	v19 =	vadd.s32 v3, v15;
	[tilespmem:s26+$0xFFFFFFD0] =	vst v7  }
0x98: {  	v20 =	vadd.s32 v3, v14;
	v21 =	vor.u32 s0, v0;
	v7 =	vor.u32 s1, v0;
	[tilespmem:s26+$0xFFFFF400] =	vst v11  }
0x99: {  	v22 =	vadd.s32 v3, v10;
	v23 =	vadd.s32 v3, v21;
	v11 =	vadd.s32 v3, v7;
	v6 =	vld.idx.msk [tilespmem:v6+s12+$0x0], $0xffff  }
0x9a: {  	[tilespmem:s26+$0xFFFFFFC0] =	vst v12  }
0x9b: {  	v9 =	vld.idx.msk [tilespmem:v9+s11+$0x0], $0xffff;
	[tilespmem:s26+$0xFFFFFFB0] =	vst v5  }
0x9c: {  	v5 =	vld.idx.msk [tilespmem:v19+s11+$0x0], $0xffff  }
0x9d: {  	v12 =	vadd.s32 v4, v13;
	v13 =	vld.idx.msk [tilespmem:v20+s11+$0x0], $0xffff  }
0x9e: {  	v15 =	vadd.s32 v4, v15;
	v8 =	vld.idx.msk [tilespmem:v8+s11+$0x0], $0xffff  }
0x9f: {  	v14 =	vadd.s32 v4, v14;
	v19 =	vld.idx.msk [tilespmem:v22+s11+$0x0], $0xffff;
	[tilespmem:s26+$0x0] =	vst v6;
	s26 =	smov.u32 s29  }
0xa0: {  	v16 =	vadd.s32 v4, v16;
	v18 =	vld.idx.msk [tilespmem:v18+s11+$0x0], $0xffff  }
0xa1: {  	v20 =	vadd.s32 v4, v10;
	[tilespmem:s29+$0xFFFFF390] =	vst v9;
	v11 =	vld.idx.msk [tilespmem:v11+s11+$0x0], $0xffff  }
0xa2: {  	v22 =	vld.idx.msk [tilespmem:v12+s12+$0x0], $0xffff;
	[tilespmem:s29+$0xFFFFF3F0] =	vst v5  }
0xa3: {  	v6 =	vadd.s32 v4, v21;
	v5 =	vadd.s32 v4, v17;
	[tilespmem:s29+$0xFFFFF3E0] =	vst v13;
	v10 =	vld.idx.msk [tilespmem:v15+s12+$0x0], $0xffff  }
.Ltmp2:
0xa4: {  	v12 =	vadd.s32 v4, v7;
	[tilespmem:s29+$0xFFFFF3A0] =	vst v8;
	v9 =	vld.idx.msk [tilespmem:v14+s12+$0x0], $0xffff;
	(pc) =	sbr.rel @p1 .LBB2_8-.Ltmp2, $4  }
0xa5: {  	v8 =	vld.idx.msk [tilespmem:v16+s12+$0x0], $0xffff;
	[tilespmem:s29+$0xFFFFF3D0] =	vst v19  }
0xa6: {  	[tilespmem:s29+$0xFFFFF3B0] =	vst v18;
	v7 =	vld.idx.msk [tilespmem:v20+s12+$0x0], $0xffff  }
0xa7: {  	[tilespmem:s29+$0xFFFFF3C0] =	vst v11;
	v11 =	vld.idx.msk [tilespmem:v23+s11+$0x0], $0xffff  }
0xa8: {  	s29 =	sadd.s32 $0x400, s29;
	[tilespmem:s26+$0xFFFFFF90] =	vst v22;
	v5 =	vld.idx.msk [tilespmem:v5+s12+$0x0], $0xffff  }
0xa9: {  	s0 =	sor.u32 $0x3, s24  }
0xaa: {  	v4 =	vmov s0  }
0xab: {  	s5 =	simm.s32 $0x0;
	v3 =	vperm.xlane v1, v4  }
0xac: {  	s6 =	simm.s32 $0x60;
	v13 =	vor.u32 s5, v0  }
0xad: {  	s29 =	simm.s32 $0x20;
	v14 =	vor.u32 s6, v0;
	v15 =	vadd.s32 v3, v13  }
0xae: {  	s1 =	simm.s32 $0x50;
	[tilespmem:s26+$0xFFFFFFF0] =	vst v10;
	v10 =	vor.u32 s29, v0;
	v17 =	vadd.s32 v3, v14  }
0xaf: {  	s8 =	simm.s32 $0x10;
	[tilespmem:s26+$0xFFFFFFE0] =	vst v9;
	v16 =	vor.u32 s1, v0;
	v9 =	vadd.s32 v3, v10  }
0xb0: {  	s9 =	simm.s32 $0x40;
	v12 =	vld.idx.msk [tilespmem:v12+s12+$0x0], $0xffff;
	v18 =	vor.u32 s8, v0;
	[tilespmem:s26+$0xFFFFF400] =	vst v11;
	v19 =	vadd.s32 v3, v16  }
0xb1: {  	s30 =	simm.s32 $0x30;
	v11 =	vor.u32 s9, v0;
	v20 =	vadd.s32 v3, v18;
	v6 =	vld.idx.msk [tilespmem:v6+s12+$0x0], $0xffff  }
0xb2: {  	s31 =	simm.s32 $0x70;
	v22 =	vor.u32 s30, v0;
	[tilespmem:s26+$0xFFFFFFA0] =	vst v8;
	v21 =	vadd.s32 v3, v11;
	v15 =	vld.idx.msk [tilespmem:v15+s11+$0x0], $0xffff  }
0xb3: {  	v60 =	vor.u32 s31, v0;
	v4 =	vperm.xlane v2, v4;
	[tilespmem:s26+$0xFFFFFFD0] =	vst v7;
	v8 =	vadd.s32 v3, v22;
	v17 =	vld.idx.msk [tilespmem:v17+s11+$0x0], $0xffff  }
0xb4: {  	[tilespmem:s26+$0xFFFFFFB0] =	vst v5;
	v61 =	vadd.s32 v3, v60;
	v9 =	vld.idx.msk [tilespmem:v9+s11+$0x0], $0xffff  }
0xb5: {  	v7 =	vadd.s32 v4, v13;
	[tilespmem:s26+$0xFFFFFFC0] =	vst v12;
	v13 =	vld.idx.msk [tilespmem:v19+s11+$0x0], $0xffff  }
0xb6: {  	v14 =	vadd.s32 v4, v14;
	v12 =	vld.idx.msk [tilespmem:v20+s11+$0x0], $0xffff;
	[tilespmem:s26+$0x0] =	vst v6  }
0xb7: {  	v16 =	vadd.s32 v4, v16;
	v5 =	vld.idx.msk [tilespmem:v21+s11+$0x0], $0xffff;
	[tilespmem:s25+$0xFFFFF390] =	vst v15  }
0xb8: {  	v6 =	vadd.s32 v4, v18;
	v15 =	vld.idx.msk [tilespmem:v8+s11+$0x0], $0xffff;
	[tilespmem:s25+$0xFFFFF3F0] =	vst v17  }
0xb9: {  	v8 =	vadd.s32 v4, v11;
	[tilespmem:s25+$0xFFFFF3B0] =	vst v9;
	v9 =	vld.idx.msk [tilespmem:v61+s11+$0x0], $0xffff  }
0xba: {  	v63 =	vadd.s32 v4, v10;
	[tilespmem:s25+$0xFFFFF3E0] =	vst v13;
	v62 =	vld.idx.msk [tilespmem:v7+s12+$0x0], $0xffff  }
0xbb: {  	[tilespmem:s25+$0xFFFFF3A0] =	vst v12;
	v12 =	vadd.s32 v4, v22;
	v11 =	vld.idx.msk [tilespmem:v14+s12+$0x0], $0xffff  }
0xbc: {  	v10 =	vld.idx.msk [tilespmem:v16+s12+$0x0], $0xffff  }
0xbd: {  	[tilespmem:s25+$0xFFFFF3D0] =	vst v5;
	v7 =	vld.idx.msk [tilespmem:v6+s12+$0x0], $0xffff  }
0xbe: {  	v8 =	vld.idx.msk [tilespmem:v8+s12+$0x0], $0xffff;
	[tilespmem:s25+$0xFFFFF3C0] =	vst v15  }
0xbf: {  	s28 =	sadd.s32 $0x400, s25;
	s26 =	simm.s32 $0x80;
	v5 =	vadd.s32 v4, v60;
	v6 =	vld.idx.msk [tilespmem:v63+s12+$0x0], $0xffff;
	[tilespmem:s25+$0xFFFFFF90] =	vst v62  }
.LBB2_10:
0xc0: {  	v13 =	vor.u32 s26, v0;
	s0 =	sadd.s32 $0x40, s26;
	s1 =	sadd.s32 $0x50, s26;
	s5 =	sadd.s32 $0x60, s26;
	v12 =	vld.idx.msk [tilespmem:v12+s12+$0x0], $0xffff;
	[tilespmem:s25+$0xFFFFFFF0] =	vst v11  }
0xc1: {  	s6 =	sadd.s32 $0x10, s26;
	s8 =	sadd.s32 $0x20, s26;
	v11 =	vor.u32 s0, v0;
	v14 =	vor.u32 s1, v0;
	v15 =	vor.u32 s5, v0;
	s0 =	sadd.s32 $0x70, s26;
	[tilespmem:s25+$0xFFFFFFE0] =	vst v10  }
0xc2: {  	p1 =	slt.u32 s26, $0x100;
	v10 =	vadd.s32 v3, v13;
	v16 =	vor.u32 s6, v0;
	v17 =	vor.u32 s8, v0;
	s1 =	sadd.s32 $0x30, s26;
	s26 =	sadd.s32 $0x80, s26;
	[tilespmem:s25+$0xFFFFFFA0] =	vst v7  }
0xc3: {  	v7 =	vadd.s32 v3, v16;
	v18 =	vadd.s32 v3, v17;
	v19 =	vadd.s32 v3, v15;
	[tilespmem:s25+$0xFFFFFFD0] =	vst v8  }
0xc4: {  	v20 =	vadd.s32 v3, v14;
	v21 =	vor.u32 s0, v0;
	v8 =	vor.u32 s1, v0;
	[tilespmem:s25+$0xFFFFF400] =	vst v9  }
0xc5: {  	v22 =	vadd.s32 v3, v11;
	v23 =	vadd.s32 v3, v21;
	v9 =	vadd.s32 v3, v8;
	v5 =	vld.idx.msk [tilespmem:v5+s12+$0x0], $0xffff  }
0xc6: {  	[tilespmem:s25+$0xFFFFFFC0] =	vst v12  }
0xc7: {  	v10 =	vld.idx.msk [tilespmem:v10+s11+$0x0], $0xffff;
	[tilespmem:s25+$0xFFFFFFB0] =	vst v6  }
0xc8: {  	v6 =	vld.idx.msk [tilespmem:v19+s11+$0x0], $0xffff  }
0xc9: {  	v12 =	vadd.s32 v4, v13;
	v13 =	vld.idx.msk [tilespmem:v20+s11+$0x0], $0xffff  }
0xca: {  	v15 =	vadd.s32 v4, v15;
	v7 =	vld.idx.msk [tilespmem:v7+s11+$0x0], $0xffff  }
0xcb: {  	v14 =	vadd.s32 v4, v14;
	v19 =	vld.idx.msk [tilespmem:v22+s11+$0x0], $0xffff;
	[tilespmem:s25+$0x0] =	vst v5;
	s25 =	smov.u32 s28  }
0xcc: {  	v16 =	vadd.s32 v4, v16;
	v18 =	vld.idx.msk [tilespmem:v18+s11+$0x0], $0xffff  }
0xcd: {  	v20 =	vadd.s32 v4, v11;
	[tilespmem:s28+$0xFFFFF390] =	vst v10;
	v9 =	vld.idx.msk [tilespmem:v9+s11+$0x0], $0xffff  }
0xce: {  	v22 =	vld.idx.msk [tilespmem:v12+s12+$0x0], $0xffff;
	[tilespmem:s28+$0xFFFFF3F0] =	vst v6  }
0xcf: {  	v5 =	vadd.s32 v4, v21;
	v6 =	vadd.s32 v4, v17;
	[tilespmem:s28+$0xFFFFF3E0] =	vst v13;
	v11 =	vld.idx.msk [tilespmem:v15+s12+$0x0], $0xffff  }
.Ltmp3:
0xd0: {  	v12 =	vadd.s32 v4, v8;
	[tilespmem:s28+$0xFFFFF3A0] =	vst v7;
	v10 =	vld.idx.msk [tilespmem:v14+s12+$0x0], $0xffff;
	(pc) =	sbr.rel @p1 .LBB2_10-.Ltmp3, $4  }
0xd1: {  	v7 =	vld.idx.msk [tilespmem:v16+s12+$0x0], $0xffff;
	[tilespmem:s28+$0xFFFFF3D0] =	vst v19  }
0xd2: {  	[tilespmem:s28+$0xFFFFF3B0] =	vst v18;
	v8 =	vld.idx.msk [tilespmem:v20+s12+$0x0], $0xffff  }
0xd3: {  	[tilespmem:s28+$0xFFFFF3C0] =	vst v9;
	v9 =	vld.idx.msk [tilespmem:v23+s11+$0x0], $0xffff  }
0xd4: {  	s28 =	sadd.s32 $0x400, s28;
	[tilespmem:s25+$0xFFFFFF90] =	vst v22;
	v6 =	vld.idx.msk [tilespmem:v6+s12+$0x0], $0xffff  }
0xd5: {  	_ =	sdelay $0x2  }
0xd6: {  	[tilespmem:s25+$0xFFFFFFF0] =	vst v11  }
0xd7: {  	v3 =	vld.idx.msk [tilespmem:v12+s12+$0x0], $0xffff;
	[tilespmem:s25+$0xFFFFF400] =	vst v9  }
0xd8: {  	[tilespmem:s25+$0xFFFFFFE0] =	vst v10;
	p1 =	slt.u32 s24, $0xC;
	v4 =	vld.idx.msk [tilespmem:v5+s12+$0x0], $0xffff  }
.Ltmp4:
0xd9: {  	[tilespmem:s25+$0xFFFFFFA0] =	vst v7;
	(pc) =	sbr.rel @p1 .LBB2_3-.Ltmp4, $4  }
0xda: {  	[tilespmem:s25+$0xFFFFFFD0] =	vst v8  }
0xdb: {  	[tilespmem:s25+$0xFFFFFFB0] =	vst v6  }
0xdc: {  	s24 =	sadd.s32 $0x4, s24;
	[tilespmem:s25+$0xFFFFFFC0] =	vst v3  }
0xdd: {  	p0 =	por !p0, !p0;
	s23 =	sadd.s32 $0x4, s23;
	s22 =	sadd.s32 $0x2, s22;
	[tilespmem:s25+$0x0] =	vst v4  }
0xde: {  	v1 =	vld [tilespmem:s20+$0x10];
	_ =	sdelay $0x4  }
0xdf: {  	s21 =	simm.s32 $0x0;
	p0 =	por $0x0, $0x0;
	s22 =	simm.s32 $0x10;
	v2 =	vshrl.u32 v1, $0x6;
	v3 =	vand.u32 $0x3F, v1  }
0xe0: {  	s23 =	simm.s32 $0x0;
	s24 =	simm.s32 $0x0;
	s25 =	simm.s32 $0x0;
	v1 =	vmul.u32 $0x181, v2;
	v2 =	vmul.u32 $0x181, v3  }
.LBB2_13:
0xe1: {  	v4 =	vmov s25  }
0xe2: {  	v3 =	vperm.xlane v1, v4  }
0xe3: {  	v5 =	vor.u32 s21, v0;
	s0 =	simm.s32 $0x60  }
0xe4: {  	s1 =	simm.s32 $0x50;
	v6 =	vor.u32 s0, v0;
	v7 =	vadd.s32 v3, v5  }
0xe5: {  	s5 =	simm.s32 $0x10;
	v8 =	vor.u32 s1, v0;
	v9 =	vadd.s32 v3, v6  }
0xe6: {  	s6 =	simm.s32 $0x40;
	v10 =	vor.u32 s5, v0;
	v11 =	vadd.s32 v3, v8  }
0xe7: {  	s8 =	simm.s32 $0x20;
	v12 =	vor.u32 s6, v0;
	v13 =	vadd.s32 v3, v10  }
0xe8: {  	s9 =	simm.s32 $0x30;
	v14 =	vor.u32 s8, v0;
	v15 =	vadd.s32 v3, v12  }
0xe9: {  	s26 =	sshrl.u32 s25, $0x3;
	s5 =	simm.s32 $0x1;
	v4 =	vperm.xlane v2, v4;
	v17 =	vor.u32 s9, v0;
	v16 =	vadd.s32 v3, v14;
	v7 =	vld.idx.msk [tilespmem:v7+s11+$0x0], $0xffff  }
0xea: {  	s1 =	smul.u32 $0x6000, s26;
	s5 =	simm.s32 @!p0 $0x0;
	v18 =	vadd.s32 v3, v17;
	v9 =	vld.idx.msk [tilespmem:v9+s11+$0x0], $0xffff  }
0xeb: {  	s5 =	sshll.u32 s5, $0xB;
	v5 =	vadd.s32 v4, v5;
	v11 =	vld.idx.msk [tilespmem:v11+s11+$0x0], $0xffff  }
0xec: {  	v6 =	vadd.s32 v4, v6;
	s0 =	sor.u32 s5, s1;
	v13 =	vld.idx.msk [tilespmem:v13+s11+$0x0], $0xffff  }
0xed: {  	v8 =	vadd.s32 v4, v8;
	s0 =	sshra.s32 s0, $0x2;
	v15 =	vld.idx.msk [tilespmem:v15+s11+$0x0], $0xffff  }
0xee: {  	v12 =	vadd.s32 v4, v12;
	s30 =	sadd.s32 $0xAB70, s0;
	v16 =	vld.idx.msk [tilespmem:v16+s11+$0x0], $0xffff  }
0xef: {  	s6 =	simm.s32 $0x70;
	[tilespmem:s30+$0xFFFFF390] =	vst v7;
	v7 =	vld.idx.msk [tilespmem:v18+s11+$0x0], $0xffff  }
0xf0: {  	v20 =	vor.u32 s6, v0;
	v19 =	vadd.s32 v4, v10;
	[tilespmem:s30+$0xFFFFF3F0] =	vst v9;
	v5 =	vld.idx.msk [tilespmem:v5+s12+$0x0], $0xffff  }
0xf1: {  	s8 =	sshrl.u32 s22, $0x3;
	v63 =	vadd.s32 v3, v20;
	[tilespmem:s30+$0xFFFFF3E0] =	vst v11;
	v10 =	vld.idx.msk [tilespmem:v6+s12+$0x0], $0xffff  }
0xf2: {  	s9 =	sand.u32 $0x7, s24;
	v14 =	vadd.s32 v4, v14;
	s0 =	smul.u32 $0x6000, s8;
	[tilespmem:s30+$0xFFFFF3D0] =	vst v15;
	v9 =	vld.idx.msk [tilespmem:v8+s12+$0x0], $0xffff  }
0xf3: {  	s26 =	sand.u32 $0x3, s23;
	s1 =	sshll.u32 s9, $0x9;
	v8 =	vld.idx.msk [tilespmem:v12+s12+$0x0], $0xffff;
	v12 =	vadd.s32 v4, v17  }
0xf4: {  	s5 =	sshll.u32 s26, $0xA;
	s1 =	sor.u32 s1, s0;
	[tilespmem:s30+$0xFFFFF3A0] =	vst v13  }
0xf5: {  	s0 =	sor.u32 s5, s0;
	s1 =	sshra.s32 s1, $0x2;
	[tilespmem:s30+$0xFFFFF3B0] =	vst v16;
	v6 =	vld.idx.msk [tilespmem:v19+s12+$0x0], $0xffff  }
0xf6: {  	s31 =	simm.s32 $0x80;
	s0 =	sshra.s32 s0, $0x2;
	s26 =	sadd.s32 $0x7CF0, s1;
	v11 =	vld.idx.msk [tilespmem:v63+s11+$0x0], $0xffff;
	[tilespmem:s30+$0xFFFFF3C0] =	vst v7  }
0xf7: {  	s28 =	sadd.s32 $0x7C70, s0;
	s29 =	sadd.s32 $0x7BF0, s1;
	s1 =	sadd.s32 $0x400, s30;
	v7 =	vadd.s32 v4, v20;
	[tilespmem:s30+$0xFFFFFF90] =	vst v5;
	v5 =	vld.idx.msk [tilespmem:v14+s12+$0x0], $0xffff  }
.LBB2_14:
0xf8: {  	v13 =	vor.u32 s31, v0;
	s0 =	sadd.s32 $0x40, s31;
	s5 =	sadd.s32 $0x50, s31;
	s6 =	sadd.s32 $0x60, s31;
	v12 =	vld.idx.msk [tilespmem:v12+s12+$0x0], $0xffff;
	[tilespmem:s30+$0xFFFFFFF0] =	vst v10  }
0xf9: {  	s8 =	sadd.s32 $0x10, s31;
	s9 =	sadd.s32 $0x20, s31;
	v10 =	vor.u32 s0, v0;
	v14 =	vor.u32 s5, v0;
	v15 =	vor.u32 s6, v0;
	s0 =	sadd.s32 $0x70, s31;
	[tilespmem:s30+$0xFFFFFFE0] =	vst v9  }
0xfa: {  	p1 =	slt.u32 s31, $0x100;
	v9 =	vadd.s32 v3, v13;
	v16 =	vor.u32 s8, v0;
	v17 =	vor.u32 s9, v0;
	s5 =	sadd.s32 $0x30, s31;
	s31 =	sadd.s32 $0x80, s31;
	[tilespmem:s30+$0xFFFFFFA0] =	vst v6  }
0xfb: {  	v6 =	vadd.s32 v3, v16;
	v18 =	vadd.s32 v3, v17;
	v19 =	vadd.s32 v3, v15;
	[tilespmem:s30+$0xFFFFFFD0] =	vst v8  }
0xfc: {  	v20 =	vadd.s32 v3, v14;
	v21 =	vor.u32 s0, v0;
	v8 =	vor.u32 s5, v0;
	[tilespmem:s30+$0xFFFFF400] =	vst v11  }
0xfd: {  	v22 =	vadd.s32 v3, v10;
	v23 =	vadd.s32 v3, v21;
	v11 =	vadd.s32 v3, v8;
	v7 =	vld.idx.msk [tilespmem:v7+s12+$0x0], $0xffff  }
0xfe: {  	[tilespmem:s30+$0xFFFFFFC0] =	vst v12  }
0xff: {  	v9 =	vld.idx.msk [tilespmem:v9+s11+$0x0], $0xffff;
	[tilespmem:s30+$0xFFFFFFB0] =	vst v5  }
0x100: {  	v5 =	vld.idx.msk [tilespmem:v19+s11+$0x0], $0xffff  }
0x101: {  	v12 =	vadd.s32 v4, v13;
	v13 =	vld.idx.msk [tilespmem:v20+s11+$0x0], $0xffff  }
0x102: {  	v15 =	vadd.s32 v4, v15;
	v6 =	vld.idx.msk [tilespmem:v6+s11+$0x0], $0xffff  }
0x103: {  	v14 =	vadd.s32 v4, v14;
	v19 =	vld.idx.msk [tilespmem:v22+s11+$0x0], $0xffff;
	[tilespmem:s30+$0x0] =	vst v7;
	s30 =	smov.u32 s1  }
0x104: {  	v16 =	vadd.s32 v4, v16;
	v18 =	vld.idx.msk [tilespmem:v18+s11+$0x0], $0xffff  }
0x105: {  	v20 =	vadd.s32 v4, v10;
	[tilespmem:s1+$0xFFFFF390] =	vst v9;
	v11 =	vld.idx.msk [tilespmem:v11+s11+$0x0], $0xffff  }
0x106: {  	v22 =	vld.idx.msk [tilespmem:v12+s12+$0x0], $0xffff;
	[tilespmem:s1+$0xFFFFF3F0] =	vst v5  }
0x107: {  	v7 =	vadd.s32 v4, v21;
	v5 =	vadd.s32 v4, v17;
	[tilespmem:s1+$0xFFFFF3E0] =	vst v13;
	v10 =	vld.idx.msk [tilespmem:v15+s12+$0x0], $0xffff  }
.Ltmp5:
0x108: {  	v12 =	vadd.s32 v4, v8;
	[tilespmem:s1+$0xFFFFF3A0] =	vst v6;
	v9 =	vld.idx.msk [tilespmem:v14+s12+$0x0], $0xffff;
	(pc) =	sbr.rel @p1 .LBB2_14-.Ltmp5, $4  }
0x109: {  	v6 =	vld.idx.msk [tilespmem:v16+s12+$0x0], $0xffff;
	[tilespmem:s1+$0xFFFFF3D0] =	vst v19  }
0x10a: {  	[tilespmem:s1+$0xFFFFF3B0] =	vst v18;
	v8 =	vld.idx.msk [tilespmem:v20+s12+$0x0], $0xffff  }
0x10b: {  	[tilespmem:s1+$0xFFFFF3C0] =	vst v11;
	v11 =	vld.idx.msk [tilespmem:v23+s11+$0x0], $0xffff  }
0x10c: {  	s1 =	sadd.s32 $0x400, s1;
	[tilespmem:s30+$0xFFFFFF90] =	vst v22;
	v5 =	vld.idx.msk [tilespmem:v5+s12+$0x0], $0xffff  }
0x10d: {  	s0 =	sor.u32 $0x1, s25  }
0x10e: {  	v4 =	vmov s0  }
0x10f: {  	s9 =	simm.s32 $0x0;
	v3 =	vperm.xlane v1, v4  }
0x110: {  	s31 =	simm.s32 $0x60;
	v13 =	vor.u32 s9, v0  }
0x111: {  	s1 =	simm.s32 $0x50;
	v14 =	vor.u32 s31, v0;
	v15 =	vadd.s32 v3, v13  }
0x112: {  	s5 =	simm.s32 $0x10;
	v16 =	vor.u32 s1, v0;
	v17 =	vadd.s32 v3, v14  }
0x113: {  	s6 =	simm.s32 $0x40;
	v18 =	vor.u32 s5, v0;
	v19 =	vadd.s32 v3, v16  }
0x114: {  	v12 =	vld.idx.msk [tilespmem:v12+s12+$0x0], $0xffff;
	s8 =	simm.s32 $0x20;
	[tilespmem:s30+$0xFFFFF400] =	vst v11;
	v11 =	vor.u32 s6, v0;
	v20 =	vadd.s32 v3, v18  }
0x115: {  	[tilespmem:s30+$0xFFFFFFF0] =	vst v10;
	v10 =	vor.u32 s8, v0;
	s9 =	simm.s32 $0x30;
	v7 =	vld.idx.msk [tilespmem:v7+s12+$0x0], $0xffff;
	v21 =	vadd.s32 v3, v11  }
0x116: {  	[tilespmem:s30+$0xFFFFFFE0] =	vst v9;
	v4 =	vperm.xlane v2, v4;
	v22 =	vor.u32 s9, v0;
	v9 =	vadd.s32 v3, v10;
	v15 =	vld.idx.msk [tilespmem:v15+s11+$0x0], $0xffff  }
0x117: {  	[tilespmem:s30+$0xFFFFFFA0] =	vst v6;
	v6 =	vadd.s32 v3, v22;
	v17 =	vld.idx.msk [tilespmem:v17+s11+$0x0], $0xffff  }
0x118: {  	[tilespmem:s30+$0xFFFFFFD0] =	vst v8;
	v8 =	vadd.s32 v4, v13;
	v13 =	vld.idx.msk [tilespmem:v19+s11+$0x0], $0xffff  }
0x119: {  	v14 =	vadd.s32 v4, v14;
	[tilespmem:s30+$0xFFFFFFC0] =	vst v12;
	v12 =	vld.idx.msk [tilespmem:v20+s11+$0x0], $0xffff  }
0x11a: {  	[tilespmem:s30+$0xFFFFFFB0] =	vst v5;
	v16 =	vadd.s32 v4, v16;
	v5 =	vld.idx.msk [tilespmem:v21+s11+$0x0], $0xffff  }
0x11b: {  	[tilespmem:s30+$0x0] =	vst v7;
	v7 =	vadd.s32 v4, v18;
	v60 =	vld.idx.msk [tilespmem:v9+s11+$0x0], $0xffff  }
0x11c: {  	s31 =	simm.s32 $0x70;
	v11 =	vadd.s32 v4, v11;
	v6 =	vld.idx.msk [tilespmem:v6+s11+$0x0], $0xffff;
	[tilespmem:s29+$0xFFFFF390] =	vst v15  }
0x11d: {  	v61 =	vor.u32 s31, v0;
	v63 =	vadd.s32 v4, v10;
	[tilespmem:s29+$0xFFFFF3F0] =	vst v17;
	v62 =	vld.idx.msk [tilespmem:v8+s12+$0x0], $0xffff  }
0x11e: {  	v15 =	vadd.s32 v3, v61;
	[tilespmem:s29+$0xFFFFF3E0] =	vst v13;
	v10 =	vld.idx.msk [tilespmem:v14+s12+$0x0], $0xffff  }
0x11f: {  	[tilespmem:s29+$0xFFFFF3A0] =	vst v12;
	v12 =	vadd.s32 v4, v22;
	v9 =	vld.idx.msk [tilespmem:v16+s12+$0x0], $0xffff  }
0x120: {  	[tilespmem:s29+$0xFFFFF3D0] =	vst v5;
	v8 =	vld.idx.msk [tilespmem:v7+s12+$0x0], $0xffff  }
0x121: {  	[tilespmem:s29+$0xFFFFF3B0] =	vst v60;
	v7 =	vld.idx.msk [tilespmem:v11+s12+$0x0], $0xffff  }
0x122: {  	[tilespmem:s29+$0xFFFFF3C0] =	vst v6;
	v5 =	vld.idx.msk [tilespmem:v63+s12+$0x0], $0xffff  }
0x123: {  	s1 =	sadd.s32 $0x400, s29;
	s30 =	simm.s32 $0x80;
	v6 =	vadd.s32 v4, v61;
	v11 =	vld.idx.msk [tilespmem:v15+s11+$0x0], $0xffff;
	[tilespmem:s29+$0xFFFFFF90] =	vst v62  }
.LBB2_16:
0x124: {  	v13 =	vor.u32 s30, v0;
	s0 =	sadd.s32 $0x40, s30;
	s5 =	sadd.s32 $0x50, s30;
	s6 =	sadd.s32 $0x60, s30;
	v12 =	vld.idx.msk [tilespmem:v12+s12+$0x0], $0xffff;
	[tilespmem:s29+$0xFFFFFFF0] =	vst v10  }
0x125: {  	s8 =	sadd.s32 $0x10, s30;
	s9 =	sadd.s32 $0x20, s30;
	v10 =	vor.u32 s0, v0;
	v14 =	vor.u32 s5, v0;
	v15 =	vor.u32 s6, v0;
	s0 =	sadd.s32 $0x70, s30;
	[tilespmem:s29+$0xFFFFFFE0] =	vst v9  }
0x126: {  	p1 =	slt.u32 s30, $0x100;
	v9 =	vadd.s32 v3, v13;
	v16 =	vor.u32 s8, v0;
	v17 =	vor.u32 s9, v0;
	s5 =	sadd.s32 $0x30, s30;
	s30 =	sadd.s32 $0x80, s30;
	[tilespmem:s29+$0xFFFFFFA0] =	vst v8  }
0x127: {  	v8 =	vadd.s32 v3, v16;
	v18 =	vadd.s32 v3, v17;
	v19 =	vadd.s32 v3, v15;
	[tilespmem:s29+$0xFFFFFFD0] =	vst v7  }
0x128: {  	v20 =	vadd.s32 v3, v14;
	v21 =	vor.u32 s0, v0;
	v7 =	vor.u32 s5, v0;
	[tilespmem:s29+$0xFFFFF400] =	vst v11  }
0x129: {  	v22 =	vadd.s32 v3, v10;
	v23 =	vadd.s32 v3, v21;
	v11 =	vadd.s32 v3, v7;
	v6 =	vld.idx.msk [tilespmem:v6+s12+$0x0], $0xffff  }
0x12a: {  	[tilespmem:s29+$0xFFFFFFC0] =	vst v12  }
0x12b: {  	v9 =	vld.idx.msk [tilespmem:v9+s11+$0x0], $0xffff;
	[tilespmem:s29+$0xFFFFFFB0] =	vst v5  }
0x12c: {  	v5 =	vld.idx.msk [tilespmem:v19+s11+$0x0], $0xffff  }
0x12d: {  	v12 =	vadd.s32 v4, v13;
	v13 =	vld.idx.msk [tilespmem:v20+s11+$0x0], $0xffff  }
0x12e: {  	v15 =	vadd.s32 v4, v15;
	v8 =	vld.idx.msk [tilespmem:v8+s11+$0x0], $0xffff  }
0x12f: {  	v14 =	vadd.s32 v4, v14;
	v19 =	vld.idx.msk [tilespmem:v22+s11+$0x0], $0xffff;
	[tilespmem:s29+$0x0] =	vst v6;
	s29 =	smov.u32 s1  }
0x130: {  	v16 =	vadd.s32 v4, v16;
	v18 =	vld.idx.msk [tilespmem:v18+s11+$0x0], $0xffff  }
0x131: {  	v20 =	vadd.s32 v4, v10;
	[tilespmem:s1+$0xFFFFF390] =	vst v9;
	v11 =	vld.idx.msk [tilespmem:v11+s11+$0x0], $0xffff  }
0x132: {  	v22 =	vld.idx.msk [tilespmem:v12+s12+$0x0], $0xffff;
	[tilespmem:s1+$0xFFFFF3F0] =	vst v5  }
0x133: {  	v6 =	vadd.s32 v4, v21;
	v5 =	vadd.s32 v4, v17;
	[tilespmem:s1+$0xFFFFF3E0] =	vst v13;
	v10 =	vld.idx.msk [tilespmem:v15+s12+$0x0], $0xffff  }
.Ltmp6:
0x134: {  	v12 =	vadd.s32 v4, v7;
	[tilespmem:s1+$0xFFFFF3A0] =	vst v8;
	v9 =	vld.idx.msk [tilespmem:v14+s12+$0x0], $0xffff;
	(pc) =	sbr.rel @p1 .LBB2_16-.Ltmp6, $4  }
0x135: {  	v8 =	vld.idx.msk [tilespmem:v16+s12+$0x0], $0xffff;
	[tilespmem:s1+$0xFFFFF3D0] =	vst v19  }
0x136: {  	[tilespmem:s1+$0xFFFFF3B0] =	vst v18;
	v7 =	vld.idx.msk [tilespmem:v20+s12+$0x0], $0xffff  }
0x137: {  	[tilespmem:s1+$0xFFFFF3C0] =	vst v11;
	v11 =	vld.idx.msk [tilespmem:v23+s11+$0x0], $0xffff  }
0x138: {  	s1 =	sadd.s32 $0x400, s1;
	[tilespmem:s29+$0xFFFFFF90] =	vst v22;
	v5 =	vld.idx.msk [tilespmem:v5+s12+$0x0], $0xffff  }
0x139: {  	s0 =	sor.u32 $0x2, s25  }
0x13a: {  	v4 =	vmov s0  }
0x13b: {  	s1 =	simm.s32 $0x0;
	v3 =	vperm.xlane v1, v4  }
0x13c: {  	s5 =	simm.s32 $0x60;
	v13 =	vor.u32 s1, v0  }
0x13d: {  	s1 =	simm.s32 $0x50;
	v14 =	vor.u32 s5, v0;
	v15 =	vadd.s32 v3, v13  }
0x13e: {  	s6 =	simm.s32 $0x10;
	v16 =	vor.u32 s1, v0;
	v17 =	vadd.s32 v3, v14  }
0x13f: {  	s8 =	simm.s32 $0x40;
	v18 =	vor.u32 s6, v0;
	v19 =	vadd.s32 v3, v16  }
0x140: {  	v12 =	vld.idx.msk [tilespmem:v12+s12+$0x0], $0xffff;
	s9 =	simm.s32 $0x20;
	[tilespmem:s29+$0xFFFFF400] =	vst v11;
	v11 =	vor.u32 s8, v0;
	v20 =	vadd.s32 v3, v18  }
0x141: {  	[tilespmem:s29+$0xFFFFFFF0] =	vst v10;
	s30 =	simm.s32 $0x30;
	v10 =	vor.u32 s9, v0;
	v6 =	vld.idx.msk [tilespmem:v6+s12+$0x0], $0xffff;
	v21 =	vadd.s32 v3, v11  }
0x142: {  	[tilespmem:s29+$0xFFFFFFE0] =	vst v9;
	v22 =	vor.u32 s30, v0;
	v4 =	vperm.xlane v2, v4;
	v9 =	vadd.s32 v3, v10;
	v15 =	vld.idx.msk [tilespmem:v15+s11+$0x0], $0xffff  }
0x143: {  	[tilespmem:s29+$0xFFFFFFA0] =	vst v8;
	v8 =	vadd.s32 v3, v22;
	v17 =	vld.idx.msk [tilespmem:v17+s11+$0x0], $0xffff  }
0x144: {  	[tilespmem:s29+$0xFFFFFFD0] =	vst v7;
	v7 =	vadd.s32 v4, v13;
	v13 =	vld.idx.msk [tilespmem:v19+s11+$0x0], $0xffff  }
0x145: {  	v14 =	vadd.s32 v4, v14;
	[tilespmem:s29+$0xFFFFFFC0] =	vst v12;
	v12 =	vld.idx.msk [tilespmem:v20+s11+$0x0], $0xffff  }
0x146: {  	[tilespmem:s29+$0xFFFFFFB0] =	vst v5;
	v16 =	vadd.s32 v4, v16;
	v5 =	vld.idx.msk [tilespmem:v21+s11+$0x0], $0xffff  }
0x147: {  	s31 =	simm.s32 $0x70;
	[tilespmem:s29+$0x0] =	vst v6;
	v6 =	vadd.s32 v4, v18;
	v59 =	vld.idx.msk [tilespmem:v9+s11+$0x0], $0xffff  }
0x148: {  	v60 =	vor.u32 s31, v0;
	v11 =	vadd.s32 v4, v11;
	[tilespmem:s28+$0xFFFFF390] =	vst v15;
	v15 =	vld.idx.msk [tilespmem:v8+s11+$0x0], $0xffff  }
0x149: {  	v61 =	vadd.s32 v3, v60;
	[tilespmem:s28+$0xFFFFF3F0] =	vst v17;
	v62 =	vld.idx.msk [tilespmem:v7+s12+$0x0], $0xffff  }
0x14a: {  	v63 =	vadd.s32 v4, v10;
	[tilespmem:s28+$0xFFFFF3E0] =	vst v13;
	v10 =	vld.idx.msk [tilespmem:v14+s12+$0x0], $0xffff  }
0x14b: {  	[tilespmem:s28+$0xFFFFF3A0] =	vst v12;
	v12 =	vadd.s32 v4, v22;
	v9 =	vld.idx.msk [tilespmem:v16+s12+$0x0], $0xffff  }
0x14c: {  	[tilespmem:s28+$0xFFFFF3D0] =	vst v5;
	v8 =	vld.idx.msk [tilespmem:v6+s12+$0x0], $0xffff  }
0x14d: {  	[tilespmem:s28+$0xFFFFF3B0] =	vst v59;
	v7 =	vld.idx.msk [tilespmem:v11+s12+$0x0], $0xffff  }
0x14e: {  	v11 =	vld.idx.msk [tilespmem:v61+s11+$0x0], $0xffff;
	[tilespmem:s28+$0xFFFFF3C0] =	vst v15  }
0x14f: {  	s1 =	sadd.s32 $0x400, s28;
	s29 =	simm.s32 $0x80;
	v6 =	vadd.s32 v4, v60;
	v5 =	vld.idx.msk [tilespmem:v63+s12+$0x0], $0xffff;
	[tilespmem:s28+$0xFFFFFF90] =	vst v62  }
.LBB2_18:
0x150: {  	v13 =	vor.u32 s29, v0;
	s0 =	sadd.s32 $0x40, s29;
	s5 =	sadd.s32 $0x50, s29;
	s6 =	sadd.s32 $0x60, s29;
	v12 =	vld.idx.msk [tilespmem:v12+s12+$0x0], $0xffff;
	[tilespmem:s28+$0xFFFFFFF0] =	vst v10  }
0x151: {  	s8 =	sadd.s32 $0x10, s29;
	s9 =	sadd.s32 $0x20, s29;
	v10 =	vor.u32 s0, v0;
	v14 =	vor.u32 s5, v0;
	v15 =	vor.u32 s6, v0;
	s0 =	sadd.s32 $0x70, s29;
	[tilespmem:s28+$0xFFFFFFE0] =	vst v9  }
0x152: {  	p1 =	slt.u32 s29, $0x100;
	v9 =	vadd.s32 v3, v13;
	v16 =	vor.u32 s8, v0;
	v17 =	vor.u32 s9, v0;
	s5 =	sadd.s32 $0x30, s29;
	s29 =	sadd.s32 $0x80, s29;
	[tilespmem:s28+$0xFFFFFFA0] =	vst v8  }
0x153: {  	v8 =	vadd.s32 v3, v16;
	v18 =	vadd.s32 v3, v17;
	v19 =	vadd.s32 v3, v15;
	[tilespmem:s28+$0xFFFFFFD0] =	vst v7  }
0x154: {  	v20 =	vadd.s32 v3, v14;
	v21 =	vor.u32 s0, v0;
	v7 =	vor.u32 s5, v0;
	[tilespmem:s28+$0xFFFFF400] =	vst v11  }
0x155: {  	v22 =	vadd.s32 v3, v10;
	v23 =	vadd.s32 v3, v21;
	v11 =	vadd.s32 v3, v7;
	v6 =	vld.idx.msk [tilespmem:v6+s12+$0x0], $0xffff  }
0x156: {  	[tilespmem:s28+$0xFFFFFFC0] =	vst v12  }
0x157: {  	v9 =	vld.idx.msk [tilespmem:v9+s11+$0x0], $0xffff;
	[tilespmem:s28+$0xFFFFFFB0] =	vst v5  }
0x158: {  	v5 =	vld.idx.msk [tilespmem:v19+s11+$0x0], $0xffff  }
0x159: {  	v12 =	vadd.s32 v4, v13;
	v13 =	vld.idx.msk [tilespmem:v20+s11+$0x0], $0xffff  }
0x15a: {  	v15 =	vadd.s32 v4, v15;
	v8 =	vld.idx.msk [tilespmem:v8+s11+$0x0], $0xffff  }
0x15b: {  	v14 =	vadd.s32 v4, v14;
	v19 =	vld.idx.msk [tilespmem:v22+s11+$0x0], $0xffff;
	[tilespmem:s28+$0x0] =	vst v6;
	s28 =	smov.u32 s1  }
0x15c: {  	v16 =	vadd.s32 v4, v16;
	v18 =	vld.idx.msk [tilespmem:v18+s11+$0x0], $0xffff  }
0x15d: {  	v20 =	vadd.s32 v4, v10;
	[tilespmem:s1+$0xFFFFF390] =	vst v9;
	v11 =	vld.idx.msk [tilespmem:v11+s11+$0x0], $0xffff  }
0x15e: {  	v22 =	vld.idx.msk [tilespmem:v12+s12+$0x0], $0xffff;
	[tilespmem:s1+$0xFFFFF3F0] =	vst v5  }
0x15f: {  	v6 =	vadd.s32 v4, v21;
	v5 =	vadd.s32 v4, v17;
	[tilespmem:s1+$0xFFFFF3E0] =	vst v13;
	v10 =	vld.idx.msk [tilespmem:v15+s12+$0x0], $0xffff  }
.Ltmp7:
0x160: {  	v12 =	vadd.s32 v4, v7;
	[tilespmem:s1+$0xFFFFF3A0] =	vst v8;
	v9 =	vld.idx.msk [tilespmem:v14+s12+$0x0], $0xffff;
	(pc) =	sbr.rel @p1 .LBB2_18-.Ltmp7, $4  }
0x161: {  	v8 =	vld.idx.msk [tilespmem:v16+s12+$0x0], $0xffff;
	[tilespmem:s1+$0xFFFFF3D0] =	vst v19  }
0x162: {  	[tilespmem:s1+$0xFFFFF3B0] =	vst v18;
	v7 =	vld.idx.msk [tilespmem:v20+s12+$0x0], $0xffff  }
0x163: {  	[tilespmem:s1+$0xFFFFF3C0] =	vst v11;
	v11 =	vld.idx.msk [tilespmem:v23+s11+$0x0], $0xffff  }
0x164: {  	s1 =	sadd.s32 $0x400, s1;
	[tilespmem:s28+$0xFFFFFF90] =	vst v22;
	v5 =	vld.idx.msk [tilespmem:v5+s12+$0x0], $0xffff  }
0x165: {  	s0 =	sor.u32 $0x3, s25  }
0x166: {  	v4 =	vmov s0  }
0x167: {  	s5 =	simm.s32 $0x0;
	v3 =	vperm.xlane v1, v4  }
0x168: {  	s6 =	simm.s32 $0x60;
	v13 =	vor.u32 s5, v0  }
0x169: {  	s29 =	simm.s32 $0x20;
	v14 =	vor.u32 s6, v0;
	v15 =	vadd.s32 v3, v13  }
0x16a: {  	s1 =	simm.s32 $0x50;
	[tilespmem:s28+$0xFFFFFFF0] =	vst v10;
	v10 =	vor.u32 s29, v0;
	v17 =	vadd.s32 v3, v14  }
0x16b: {  	s8 =	simm.s32 $0x10;
	[tilespmem:s28+$0xFFFFFFE0] =	vst v9;
	v16 =	vor.u32 s1, v0;
	v9 =	vadd.s32 v3, v10  }
0x16c: {  	s9 =	simm.s32 $0x40;
	v12 =	vld.idx.msk [tilespmem:v12+s12+$0x0], $0xffff;
	v18 =	vor.u32 s8, v0;
	[tilespmem:s28+$0xFFFFF400] =	vst v11;
	v19 =	vadd.s32 v3, v16  }
0x16d: {  	s30 =	simm.s32 $0x30;
	v11 =	vor.u32 s9, v0;
	v20 =	vadd.s32 v3, v18;
	v6 =	vld.idx.msk [tilespmem:v6+s12+$0x0], $0xffff  }
0x16e: {  	s31 =	simm.s32 $0x70;
	v22 =	vor.u32 s30, v0;
	[tilespmem:s28+$0xFFFFFFA0] =	vst v8;
	v21 =	vadd.s32 v3, v11;
	v15 =	vld.idx.msk [tilespmem:v15+s11+$0x0], $0xffff  }
0x16f: {  	v60 =	vor.u32 s31, v0;
	v4 =	vperm.xlane v2, v4;
	[tilespmem:s28+$0xFFFFFFD0] =	vst v7;
	v8 =	vadd.s32 v3, v22;
	v17 =	vld.idx.msk [tilespmem:v17+s11+$0x0], $0xffff  }
0x170: {  	[tilespmem:s28+$0xFFFFFFB0] =	vst v5;
	v61 =	vadd.s32 v3, v60;
	v9 =	vld.idx.msk [tilespmem:v9+s11+$0x0], $0xffff  }
0x171: {  	v7 =	vadd.s32 v4, v13;
	[tilespmem:s28+$0xFFFFFFC0] =	vst v12;
	v13 =	vld.idx.msk [tilespmem:v19+s11+$0x0], $0xffff  }
0x172: {  	v14 =	vadd.s32 v4, v14;
	v12 =	vld.idx.msk [tilespmem:v20+s11+$0x0], $0xffff;
	[tilespmem:s28+$0x0] =	vst v6  }
0x173: {  	v16 =	vadd.s32 v4, v16;
	v5 =	vld.idx.msk [tilespmem:v21+s11+$0x0], $0xffff;
	[tilespmem:s26+$0xFFFFF390] =	vst v15  }
0x174: {  	v6 =	vadd.s32 v4, v18;
	v15 =	vld.idx.msk [tilespmem:v8+s11+$0x0], $0xffff;
	[tilespmem:s26+$0xFFFFF3F0] =	vst v17  }
0x175: {  	v8 =	vadd.s32 v4, v11;
	[tilespmem:s26+$0xFFFFF3B0] =	vst v9;
	v9 =	vld.idx.msk [tilespmem:v61+s11+$0x0], $0xffff  }
0x176: {  	v63 =	vadd.s32 v4, v10;
	[tilespmem:s26+$0xFFFFF3E0] =	vst v13;
	v62 =	vld.idx.msk [tilespmem:v7+s12+$0x0], $0xffff  }
0x177: {  	[tilespmem:s26+$0xFFFFF3A0] =	vst v12;
	v12 =	vadd.s32 v4, v22;
	v11 =	vld.idx.msk [tilespmem:v14+s12+$0x0], $0xffff  }
0x178: {  	v10 =	vld.idx.msk [tilespmem:v16+s12+$0x0], $0xffff  }
0x179: {  	[tilespmem:s26+$0xFFFFF3D0] =	vst v5;
	v7 =	vld.idx.msk [tilespmem:v6+s12+$0x0], $0xffff  }
0x17a: {  	v8 =	vld.idx.msk [tilespmem:v8+s12+$0x0], $0xffff;
	[tilespmem:s26+$0xFFFFF3C0] =	vst v15  }
0x17b: {  	s1 =	sadd.s32 $0x400, s26;
	s28 =	simm.s32 $0x80;
	v5 =	vadd.s32 v4, v60;
	v6 =	vld.idx.msk [tilespmem:v63+s12+$0x0], $0xffff;
	[tilespmem:s26+$0xFFFFFF90] =	vst v62  }
.LBB2_20:
0x17c: {  	v13 =	vor.u32 s28, v0;
	s0 =	sadd.s32 $0x40, s28;
	s5 =	sadd.s32 $0x50, s28;
	s6 =	sadd.s32 $0x60, s28;
	v12 =	vld.idx.msk [tilespmem:v12+s12+$0x0], $0xffff;
	[tilespmem:s26+$0xFFFFFFF0] =	vst v11  }
0x17d: {  	s8 =	sadd.s32 $0x10, s28;
	s9 =	sadd.s32 $0x20, s28;
	v11 =	vor.u32 s0, v0;
	v14 =	vor.u32 s5, v0;
	v15 =	vor.u32 s6, v0;
	s0 =	sadd.s32 $0x70, s28;
	[tilespmem:s26+$0xFFFFFFE0] =	vst v10  }
0x17e: {  	p1 =	slt.u32 s28, $0x100;
	v10 =	vadd.s32 v3, v13;
	v16 =	vor.u32 s8, v0;
	v17 =	vor.u32 s9, v0;
	s5 =	sadd.s32 $0x30, s28;
	s28 =	sadd.s32 $0x80, s28;
	[tilespmem:s26+$0xFFFFFFA0] =	vst v7  }
0x17f: {  	v7 =	vadd.s32 v3, v16;
	v18 =	vadd.s32 v3, v17;
	v19 =	vadd.s32 v3, v15;
	[tilespmem:s26+$0xFFFFFFD0] =	vst v8  }
0x180: {  	v20 =	vadd.s32 v3, v14;
	v21 =	vor.u32 s0, v0;
	v8 =	vor.u32 s5, v0;
	[tilespmem:s26+$0xFFFFF400] =	vst v9  }
0x181: {  	v22 =	vadd.s32 v3, v11;
	v23 =	vadd.s32 v3, v21;
	v9 =	vadd.s32 v3, v8;
	v5 =	vld.idx.msk [tilespmem:v5+s12+$0x0], $0xffff  }
0x182: {  	[tilespmem:s26+$0xFFFFFFC0] =	vst v12  }
0x183: {  	v10 =	vld.idx.msk [tilespmem:v10+s11+$0x0], $0xffff;
	[tilespmem:s26+$0xFFFFFFB0] =	vst v6  }
0x184: {  	v6 =	vld.idx.msk [tilespmem:v19+s11+$0x0], $0xffff  }
0x185: {  	v12 =	vadd.s32 v4, v13;
	v13 =	vld.idx.msk [tilespmem:v20+s11+$0x0], $0xffff  }
0x186: {  	v15 =	vadd.s32 v4, v15;
	v7 =	vld.idx.msk [tilespmem:v7+s11+$0x0], $0xffff  }
0x187: {  	v14 =	vadd.s32 v4, v14;
	v19 =	vld.idx.msk [tilespmem:v22+s11+$0x0], $0xffff;
	[tilespmem:s26+$0x0] =	vst v5;
	s26 =	smov.u32 s1  }
0x188: {  	v16 =	vadd.s32 v4, v16;
	v18 =	vld.idx.msk [tilespmem:v18+s11+$0x0], $0xffff  }
0x189: {  	v20 =	vadd.s32 v4, v11;
	[tilespmem:s1+$0xFFFFF390] =	vst v10;
	v9 =	vld.idx.msk [tilespmem:v9+s11+$0x0], $0xffff  }
0x18a: {  	v22 =	vld.idx.msk [tilespmem:v12+s12+$0x0], $0xffff;
	[tilespmem:s1+$0xFFFFF3F0] =	vst v6  }
0x18b: {  	v5 =	vadd.s32 v4, v21;
	v6 =	vadd.s32 v4, v17;
	[tilespmem:s1+$0xFFFFF3E0] =	vst v13;
	v11 =	vld.idx.msk [tilespmem:v15+s12+$0x0], $0xffff  }
.Ltmp8:
0x18c: {  	v12 =	vadd.s32 v4, v8;
	[tilespmem:s1+$0xFFFFF3A0] =	vst v7;
	v10 =	vld.idx.msk [tilespmem:v14+s12+$0x0], $0xffff;
	(pc) =	sbr.rel @p1 .LBB2_20-.Ltmp8, $4  }
0x18d: {  	v7 =	vld.idx.msk [tilespmem:v16+s12+$0x0], $0xffff;
	[tilespmem:s1+$0xFFFFF3D0] =	vst v19  }
0x18e: {  	[tilespmem:s1+$0xFFFFF3B0] =	vst v18;
	v8 =	vld.idx.msk [tilespmem:v20+s12+$0x0], $0xffff  }
0x18f: {  	[tilespmem:s1+$0xFFFFF3C0] =	vst v9;
	v9 =	vld.idx.msk [tilespmem:v23+s11+$0x0], $0xffff  }
0x190: {  	s1 =	sadd.s32 $0x400, s1;
	[tilespmem:s26+$0xFFFFFF90] =	vst v22;
	v6 =	vld.idx.msk [tilespmem:v6+s12+$0x0], $0xffff  }
0x191: {  	_ =	sdelay $0x2  }
0x192: {  	[tilespmem:s26+$0xFFFFFFF0] =	vst v11  }
0x193: {  	v3 =	vld.idx.msk [tilespmem:v12+s12+$0x0], $0xffff;
	[tilespmem:s26+$0xFFFFF400] =	vst v9  }
0x194: {  	[tilespmem:s26+$0xFFFFFFE0] =	vst v10;
	p1 =	slt.u32 s25, $0xC;
	v4 =	vld.idx.msk [tilespmem:v5+s12+$0x0], $0xffff  }
.Ltmp9:
0x195: {  	[tilespmem:s26+$0xFFFFFFA0] =	vst v7;
	(pc) =	sbr.rel @p1 .LBB2_13-.Ltmp9, $4  }
0x196: {  	[tilespmem:s26+$0xFFFFFFD0] =	vst v8  }
0x197: {  	[tilespmem:s26+$0xFFFFFFB0] =	vst v6  }
0x198: {  	s25 =	sadd.s32 $0x4, s25;
	p0 =	por !p0, !p0;
	[tilespmem:s26+$0xFFFFFFC0] =	vst v3  }
0x199: {  	s22 =	sadd.s32 $0x4, s22;
	s24 =	sadd.s32 $0x4, s24;
	s23 =	sadd.s32 $0x2, s23;
	[tilespmem:s26+$0x0] =	vst v4  }
0x19a: {  	s0 =	sor.u32 s4, s20  }
0x19b: {  	s0 =	sshrl.u32 s0, $0x3  }
0x19c: {  	s0 =	smul.u32 $0x300, s0;
	_ =	sdelay $0x1  }
0x19d: {  	s22 =	simm.s32 $0x0;
	s0 =	sadd.s32 s2, s0  }
0x19e: {  	[hbm4b:s0+s22] =	stream.linear.scatter [tilespmem:s14], [sflag:$0x2], $0x6000, $0x38;
	[tilespmem:$0x12F00] =	vst v63  }
0x19f: {  	_ =	swait.ge [sflag:s17], $0x6000  }
0x1a0: {  	[sflag:s17] =	ssyncset.done $0x0  }
0x1a1: {  	s21 =	sor.u32 $0x20, s20;
	[sflag:s17] =	ssyncadd.s32 $0xFFFFA000  }
0x1a2: {  	v1 =	vld [tilespmem:s21+$0x0];
	_ =	sdelay $0x4  }
0x1a3: {  	p0 =	por $0x0, $0x0;
	v2 =	vshrl.u32 v1, $0x6;
	v3 =	vand.u32 $0x3F, v1  }
0x1a4: {  	s23 =	simm.s32 $0x0;
	s24 =	simm.s32 $0x0;
	s25 =	simm.s32 $0x0;
	v1 =	vmul.u32 $0x181, v2;
	v2 =	vmul.u32 $0x181, v3  }
.LBB2_23:
0x1a5: {  	v4 =	vmov s25  }
0x1a6: {  	v3 =	vperm.xlane v1, v4  }
0x1a7: {  	v5 =	vor.u32 s22, v0;
	s0 =	simm.s32 $0x60  }
0x1a8: {  	s1 =	simm.s32 $0x50;
	v6 =	vor.u32 s0, v0;
	v7 =	vadd.s32 v3, v5  }
0x1a9: {  	s5 =	simm.s32 $0x10;
	v8 =	vor.u32 s1, v0;
	v9 =	vadd.s32 v3, v6  }
0x1aa: {  	s6 =	simm.s32 $0x40;
	v10 =	vor.u32 s5, v0;
	v11 =	vadd.s32 v3, v8  }
0x1ab: {  	s8 =	simm.s32 $0x20;
	v12 =	vor.u32 s6, v0;
	v13 =	vadd.s32 v3, v10  }
0x1ac: {  	s9 =	simm.s32 $0x30;
	v14 =	vor.u32 s8, v0;
	v15 =	vadd.s32 v3, v12  }
0x1ad: {  	s26 =	sshrl.u32 s25, $0x3;
	s5 =	simm.s32 $0x1;
	v4 =	vperm.xlane v2, v4;
	v17 =	vor.u32 s9, v0;
	v16 =	vadd.s32 v3, v14;
	v7 =	vld.idx.msk [tilespmem:v7+s11+$0x0], $0xffff  }
0x1ae: {  	s0 =	smul.u32 $0x6000, s26;
	s5 =	simm.s32 @!p0 $0x0;
	v18 =	vadd.s32 v3, v17;
	v9 =	vld.idx.msk [tilespmem:v9+s11+$0x0], $0xffff  }
0x1af: {  	s6 =	sshll.u32 s5, $0xB;
	v5 =	vadd.s32 v4, v5;
	v11 =	vld.idx.msk [tilespmem:v11+s11+$0x0], $0xffff  }
0x1b0: {  	v6 =	vadd.s32 v4, v6;
	s1 =	sor.u32 s6, s0;
	v13 =	vld.idx.msk [tilespmem:v13+s11+$0x0], $0xffff  }
0x1b1: {  	v8 =	vadd.s32 v4, v8;
	s1 =	sshra.s32 s1, $0x2;
	v15 =	vld.idx.msk [tilespmem:v15+s11+$0x0], $0xffff  }
0x1b2: {  	v12 =	vadd.s32 v4, v12;
	s30 =	sadd.s32 $0xDB70, s1;
	v16 =	vld.idx.msk [tilespmem:v16+s11+$0x0], $0xffff  }
0x1b3: {  	s8 =	simm.s32 $0x70;
	[tilespmem:s30+$0xFFFFF390] =	vst v7;
	v7 =	vld.idx.msk [tilespmem:v18+s11+$0x0], $0xffff  }
0x1b4: {  	v20 =	vor.u32 s8, v0;
	v19 =	vadd.s32 v4, v10;
	[tilespmem:s30+$0xFFFFF3F0] =	vst v9;
	v5 =	vld.idx.msk [tilespmem:v5+s12+$0x0], $0xffff  }
0x1b5: {  	v63 =	vadd.s32 v3, v20;
	[tilespmem:s30+$0xFFFFF3E0] =	vst v11;
	v10 =	vld.idx.msk [tilespmem:v6+s12+$0x0], $0xffff  }
0x1b6: {  	s9 =	sand.u32 $0x7, s24;
	v14 =	vadd.s32 v4, v14;
	[tilespmem:s30+$0xFFFFF3D0] =	vst v15;
	v9 =	vld.idx.msk [tilespmem:v8+s12+$0x0], $0xffff  }
0x1b7: {  	s26 =	sand.u32 $0x3, s23;
	s1 =	sshll.u32 s9, $0x9;
	v8 =	vld.idx.msk [tilespmem:v12+s12+$0x0], $0xffff;
	v12 =	vadd.s32 v4, v17  }
0x1b8: {  	s5 =	sshll.u32 s26, $0xA;
	s1 =	sor.u32 s1, s0;
	[tilespmem:s30+$0xFFFFF3A0] =	vst v13  }
0x1b9: {  	s0 =	sor.u32 s5, s0;
	s1 =	sshra.s32 s1, $0x2;
	[tilespmem:s30+$0xFFFFF3B0] =	vst v16;
	v6 =	vld.idx.msk [tilespmem:v19+s12+$0x0], $0xffff  }
0x1ba: {  	s31 =	simm.s32 $0x80;
	s0 =	sshra.s32 s0, $0x2;
	s26 =	sadd.s32 $0xDCF0, s1;
	v11 =	vld.idx.msk [tilespmem:v63+s11+$0x0], $0xffff;
	[tilespmem:s30+$0xFFFFF3C0] =	vst v7  }
0x1bb: {  	s28 =	sadd.s32 $0xDC70, s0;
	s29 =	sadd.s32 $0xDBF0, s1;
	s1 =	sadd.s32 $0x400, s30;
	v7 =	vadd.s32 v4, v20;
	[tilespmem:s30+$0xFFFFFF90] =	vst v5;
	v5 =	vld.idx.msk [tilespmem:v14+s12+$0x0], $0xffff  }
.LBB2_24:
0x1bc: {  	v13 =	vor.u32 s31, v0;
	s0 =	sadd.s32 $0x40, s31;
	s5 =	sadd.s32 $0x50, s31;
	s6 =	sadd.s32 $0x60, s31;
	v12 =	vld.idx.msk [tilespmem:v12+s12+$0x0], $0xffff;
	[tilespmem:s30+$0xFFFFFFF0] =	vst v10  }
0x1bd: {  	s8 =	sadd.s32 $0x10, s31;
	s9 =	sadd.s32 $0x20, s31;
	v10 =	vor.u32 s0, v0;
	v14 =	vor.u32 s5, v0;
	v15 =	vor.u32 s6, v0;
	s0 =	sadd.s32 $0x70, s31;
	[tilespmem:s30+$0xFFFFFFE0] =	vst v9  }
0x1be: {  	p1 =	slt.u32 s31, $0x100;
	v9 =	vadd.s32 v3, v13;
	v16 =	vor.u32 s8, v0;
	v17 =	vor.u32 s9, v0;
	s5 =	sadd.s32 $0x30, s31;
	s31 =	sadd.s32 $0x80, s31;
	[tilespmem:s30+$0xFFFFFFA0] =	vst v6  }
0x1bf: {  	v6 =	vadd.s32 v3, v16;
	v18 =	vadd.s32 v3, v17;
	v19 =	vadd.s32 v3, v15;
	[tilespmem:s30+$0xFFFFFFD0] =	vst v8  }
0x1c0: {  	v20 =	vadd.s32 v3, v14;
	v21 =	vor.u32 s0, v0;
	v8 =	vor.u32 s5, v0;
	[tilespmem:s30+$0xFFFFF400] =	vst v11  }
0x1c1: {  	v22 =	vadd.s32 v3, v10;
	v23 =	vadd.s32 v3, v21;
	v11 =	vadd.s32 v3, v8;
	v7 =	vld.idx.msk [tilespmem:v7+s12+$0x0], $0xffff  }
0x1c2: {  	[tilespmem:s30+$0xFFFFFFC0] =	vst v12  }
0x1c3: {  	v9 =	vld.idx.msk [tilespmem:v9+s11+$0x0], $0xffff;
	[tilespmem:s30+$0xFFFFFFB0] =	vst v5  }
0x1c4: {  	v5 =	vld.idx.msk [tilespmem:v19+s11+$0x0], $0xffff  }
0x1c5: {  	v12 =	vadd.s32 v4, v13;
	v13 =	vld.idx.msk [tilespmem:v20+s11+$0x0], $0xffff  }
0x1c6: {  	v15 =	vadd.s32 v4, v15;
	v6 =	vld.idx.msk [tilespmem:v6+s11+$0x0], $0xffff  }
0x1c7: {  	v14 =	vadd.s32 v4, v14;
	v19 =	vld.idx.msk [tilespmem:v22+s11+$0x0], $0xffff;
	[tilespmem:s30+$0x0] =	vst v7;
	s30 =	smov.u32 s1  }
0x1c8: {  	v16 =	vadd.s32 v4, v16;
	v18 =	vld.idx.msk [tilespmem:v18+s11+$0x0], $0xffff  }
0x1c9: {  	v20 =	vadd.s32 v4, v10;
	[tilespmem:s1+$0xFFFFF390] =	vst v9;
	v11 =	vld.idx.msk [tilespmem:v11+s11+$0x0], $0xffff  }
0x1ca: {  	v22 =	vld.idx.msk [tilespmem:v12+s12+$0x0], $0xffff;
	[tilespmem:s1+$0xFFFFF3F0] =	vst v5  }
0x1cb: {  	v7 =	vadd.s32 v4, v21;
	v5 =	vadd.s32 v4, v17;
	[tilespmem:s1+$0xFFFFF3E0] =	vst v13;
	v10 =	vld.idx.msk [tilespmem:v15+s12+$0x0], $0xffff  }
.Ltmp10:
0x1cc: {  	v12 =	vadd.s32 v4, v8;
	[tilespmem:s1+$0xFFFFF3A0] =	vst v6;
	v9 =	vld.idx.msk [tilespmem:v14+s12+$0x0], $0xffff;
	(pc) =	sbr.rel @p1 .LBB2_24-.Ltmp10, $4  }
0x1cd: {  	v6 =	vld.idx.msk [tilespmem:v16+s12+$0x0], $0xffff;
	[tilespmem:s1+$0xFFFFF3D0] =	vst v19  }
0x1ce: {  	[tilespmem:s1+$0xFFFFF3B0] =	vst v18;
	v8 =	vld.idx.msk [tilespmem:v20+s12+$0x0], $0xffff  }
0x1cf: {  	[tilespmem:s1+$0xFFFFF3C0] =	vst v11;
	v11 =	vld.idx.msk [tilespmem:v23+s11+$0x0], $0xffff  }
0x1d0: {  	s1 =	sadd.s32 $0x400, s1;
	[tilespmem:s30+$0xFFFFFF90] =	vst v22;
	v5 =	vld.idx.msk [tilespmem:v5+s12+$0x0], $0xffff  }
0x1d1: {  	s0 =	sor.u32 $0x1, s25  }
0x1d2: {  	v4 =	vmov s0  }
0x1d3: {  	s9 =	simm.s32 $0x0;
	v3 =	vperm.xlane v1, v4  }
0x1d4: {  	s31 =	simm.s32 $0x60;
	v13 =	vor.u32 s9, v0  }
0x1d5: {  	s1 =	simm.s32 $0x50;
	v14 =	vor.u32 s31, v0;
	v15 =	vadd.s32 v3, v13  }
0x1d6: {  	s5 =	simm.s32 $0x10;
	v16 =	vor.u32 s1, v0;
	v17 =	vadd.s32 v3, v14  }
0x1d7: {  	s6 =	simm.s32 $0x40;
	v18 =	vor.u32 s5, v0;
	v19 =	vadd.s32 v3, v16  }
0x1d8: {  	v12 =	vld.idx.msk [tilespmem:v12+s12+$0x0], $0xffff;
	s8 =	simm.s32 $0x20;
	[tilespmem:s30+$0xFFFFF400] =	vst v11;
	v11 =	vor.u32 s6, v0;
	v20 =	vadd.s32 v3, v18  }
0x1d9: {  	[tilespmem:s30+$0xFFFFFFF0] =	vst v10;
	v10 =	vor.u32 s8, v0;
	s9 =	simm.s32 $0x30;
	v7 =	vld.idx.msk [tilespmem:v7+s12+$0x0], $0xffff;
	v21 =	vadd.s32 v3, v11  }
0x1da: {  	[tilespmem:s30+$0xFFFFFFE0] =	vst v9;
	v4 =	vperm.xlane v2, v4;
	v22 =	vor.u32 s9, v0;
	v9 =	vadd.s32 v3, v10;
	v15 =	vld.idx.msk [tilespmem:v15+s11+$0x0], $0xffff  }
0x1db: {  	[tilespmem:s30+$0xFFFFFFA0] =	vst v6;
	v6 =	vadd.s32 v3, v22;
	v17 =	vld.idx.msk [tilespmem:v17+s11+$0x0], $0xffff  }
0x1dc: {  	[tilespmem:s30+$0xFFFFFFD0] =	vst v8;
	v8 =	vadd.s32 v4, v13;
	v13 =	vld.idx.msk [tilespmem:v19+s11+$0x0], $0xffff  }
0x1dd: {  	v14 =	vadd.s32 v4, v14;
	[tilespmem:s30+$0xFFFFFFC0] =	vst v12;
	v12 =	vld.idx.msk [tilespmem:v20+s11+$0x0], $0xffff  }
0x1de: {  	[tilespmem:s30+$0xFFFFFFB0] =	vst v5;
	v16 =	vadd.s32 v4, v16;
	v5 =	vld.idx.msk [tilespmem:v21+s11+$0x0], $0xffff  }
0x1df: {  	[tilespmem:s30+$0x0] =	vst v7;
	v7 =	vadd.s32 v4, v18;
	v60 =	vld.idx.msk [tilespmem:v9+s11+$0x0], $0xffff  }
0x1e0: {  	s31 =	simm.s32 $0x70;
	v11 =	vadd.s32 v4, v11;
	v6 =	vld.idx.msk [tilespmem:v6+s11+$0x0], $0xffff;
	[tilespmem:s29+$0xFFFFF390] =	vst v15  }
0x1e1: {  	v61 =	vor.u32 s31, v0;
	v63 =	vadd.s32 v4, v10;
	[tilespmem:s29+$0xFFFFF3F0] =	vst v17;
	v62 =	vld.idx.msk [tilespmem:v8+s12+$0x0], $0xffff  }
0x1e2: {  	v15 =	vadd.s32 v3, v61;
	[tilespmem:s29+$0xFFFFF3E0] =	vst v13;
	v10 =	vld.idx.msk [tilespmem:v14+s12+$0x0], $0xffff  }
0x1e3: {  	[tilespmem:s29+$0xFFFFF3A0] =	vst v12;
	v12 =	vadd.s32 v4, v22;
	v9 =	vld.idx.msk [tilespmem:v16+s12+$0x0], $0xffff  }
0x1e4: {  	[tilespmem:s29+$0xFFFFF3D0] =	vst v5;
	v8 =	vld.idx.msk [tilespmem:v7+s12+$0x0], $0xffff  }
0x1e5: {  	[tilespmem:s29+$0xFFFFF3B0] =	vst v60;
	v7 =	vld.idx.msk [tilespmem:v11+s12+$0x0], $0xffff  }
0x1e6: {  	[tilespmem:s29+$0xFFFFF3C0] =	vst v6;
	v5 =	vld.idx.msk [tilespmem:v63+s12+$0x0], $0xffff  }
0x1e7: {  	s1 =	sadd.s32 $0x400, s29;
	s30 =	simm.s32 $0x80;
	v6 =	vadd.s32 v4, v61;
	v11 =	vld.idx.msk [tilespmem:v15+s11+$0x0], $0xffff;
	[tilespmem:s29+$0xFFFFFF90] =	vst v62  }
.LBB2_26:
0x1e8: {  	v13 =	vor.u32 s30, v0;
	s0 =	sadd.s32 $0x40, s30;
	s5 =	sadd.s32 $0x50, s30;
	s6 =	sadd.s32 $0x60, s30;
	v12 =	vld.idx.msk [tilespmem:v12+s12+$0x0], $0xffff;
	[tilespmem:s29+$0xFFFFFFF0] =	vst v10  }
0x1e9: {  	s8 =	sadd.s32 $0x10, s30;
	s9 =	sadd.s32 $0x20, s30;
	v10 =	vor.u32 s0, v0;
	v14 =	vor.u32 s5, v0;
	v15 =	vor.u32 s6, v0;
	s0 =	sadd.s32 $0x70, s30;
	[tilespmem:s29+$0xFFFFFFE0] =	vst v9  }
0x1ea: {  	p1 =	slt.u32 s30, $0x100;
	v9 =	vadd.s32 v3, v13;
	v16 =	vor.u32 s8, v0;
	v17 =	vor.u32 s9, v0;
	s5 =	sadd.s32 $0x30, s30;
	s30 =	sadd.s32 $0x80, s30;
	[tilespmem:s29+$0xFFFFFFA0] =	vst v8  }
0x1eb: {  	v8 =	vadd.s32 v3, v16;
	v18 =	vadd.s32 v3, v17;
	v19 =	vadd.s32 v3, v15;
	[tilespmem:s29+$0xFFFFFFD0] =	vst v7  }
0x1ec: {  	v20 =	vadd.s32 v3, v14;
	v21 =	vor.u32 s0, v0;
	v7 =	vor.u32 s5, v0;
	[tilespmem:s29+$0xFFFFF400] =	vst v11  }
0x1ed: {  	v22 =	vadd.s32 v3, v10;
	v23 =	vadd.s32 v3, v21;
	v11 =	vadd.s32 v3, v7;
	v6 =	vld.idx.msk [tilespmem:v6+s12+$0x0], $0xffff  }
0x1ee: {  	[tilespmem:s29+$0xFFFFFFC0] =	vst v12  }
0x1ef: {  	v9 =	vld.idx.msk [tilespmem:v9+s11+$0x0], $0xffff;
	[tilespmem:s29+$0xFFFFFFB0] =	vst v5  }
0x1f0: {  	v5 =	vld.idx.msk [tilespmem:v19+s11+$0x0], $0xffff  }
0x1f1: {  	v12 =	vadd.s32 v4, v13;
	v13 =	vld.idx.msk [tilespmem:v20+s11+$0x0], $0xffff  }
0x1f2: {  	v15 =	vadd.s32 v4, v15;
	v8 =	vld.idx.msk [tilespmem:v8+s11+$0x0], $0xffff  }
0x1f3: {  	v14 =	vadd.s32 v4, v14;
	v19 =	vld.idx.msk [tilespmem:v22+s11+$0x0], $0xffff;
	[tilespmem:s29+$0x0] =	vst v6;
	s29 =	smov.u32 s1  }
0x1f4: {  	v16 =	vadd.s32 v4, v16;
	v18 =	vld.idx.msk [tilespmem:v18+s11+$0x0], $0xffff  }
0x1f5: {  	v20 =	vadd.s32 v4, v10;
	[tilespmem:s1+$0xFFFFF390] =	vst v9;
	v11 =	vld.idx.msk [tilespmem:v11+s11+$0x0], $0xffff  }
0x1f6: {  	v22 =	vld.idx.msk [tilespmem:v12+s12+$0x0], $0xffff;
	[tilespmem:s1+$0xFFFFF3F0] =	vst v5  }
0x1f7: {  	v6 =	vadd.s32 v4, v21;
	v5 =	vadd.s32 v4, v17;
	[tilespmem:s1+$0xFFFFF3E0] =	vst v13;
	v10 =	vld.idx.msk [tilespmem:v15+s12+$0x0], $0xffff  }
.Ltmp11:
0x1f8: {  	v12 =	vadd.s32 v4, v7;
	[tilespmem:s1+$0xFFFFF3A0] =	vst v8;
	v9 =	vld.idx.msk [tilespmem:v14+s12+$0x0], $0xffff;
	(pc) =	sbr.rel @p1 .LBB2_26-.Ltmp11, $4  }
0x1f9: {  	v8 =	vld.idx.msk [tilespmem:v16+s12+$0x0], $0xffff;
	[tilespmem:s1+$0xFFFFF3D0] =	vst v19  }
0x1fa: {  	[tilespmem:s1+$0xFFFFF3B0] =	vst v18;
	v7 =	vld.idx.msk [tilespmem:v20+s12+$0x0], $0xffff  }
0x1fb: {  	[tilespmem:s1+$0xFFFFF3C0] =	vst v11;
	v11 =	vld.idx.msk [tilespmem:v23+s11+$0x0], $0xffff  }
0x1fc: {  	s1 =	sadd.s32 $0x400, s1;
	[tilespmem:s29+$0xFFFFFF90] =	vst v22;
	v5 =	vld.idx.msk [tilespmem:v5+s12+$0x0], $0xffff  }
0x1fd: {  	s0 =	sor.u32 $0x2, s25  }
0x1fe: {  	v4 =	vmov s0  }
0x1ff: {  	s1 =	simm.s32 $0x0;
	v3 =	vperm.xlane v1, v4  }
0x200: {  	s5 =	simm.s32 $0x60;
	v13 =	vor.u32 s1, v0  }
0x201: {  	s1 =	simm.s32 $0x50;
	v14 =	vor.u32 s5, v0;
	v15 =	vadd.s32 v3, v13  }
0x202: {  	s6 =	simm.s32 $0x10;
	v16 =	vor.u32 s1, v0;
	v17 =	vadd.s32 v3, v14  }
0x203: {  	s8 =	simm.s32 $0x40;
	v18 =	vor.u32 s6, v0;
	v19 =	vadd.s32 v3, v16  }
0x204: {  	v12 =	vld.idx.msk [tilespmem:v12+s12+$0x0], $0xffff;
	s9 =	simm.s32 $0x20;
	[tilespmem:s29+$0xFFFFF400] =	vst v11;
	v11 =	vor.u32 s8, v0;
	v20 =	vadd.s32 v3, v18  }
0x205: {  	[tilespmem:s29+$0xFFFFFFF0] =	vst v10;
	s30 =	simm.s32 $0x30;
	v10 =	vor.u32 s9, v0;
	v6 =	vld.idx.msk [tilespmem:v6+s12+$0x0], $0xffff;
	v21 =	vadd.s32 v3, v11  }
0x206: {  	[tilespmem:s29+$0xFFFFFFE0] =	vst v9;
	v22 =	vor.u32 s30, v0;
	v4 =	vperm.xlane v2, v4;
	v9 =	vadd.s32 v3, v10;
	v15 =	vld.idx.msk [tilespmem:v15+s11+$0x0], $0xffff  }
0x207: {  	[tilespmem:s29+$0xFFFFFFA0] =	vst v8;
	v8 =	vadd.s32 v3, v22;
	v17 =	vld.idx.msk [tilespmem:v17+s11+$0x0], $0xffff  }
0x208: {  	[tilespmem:s29+$0xFFFFFFD0] =	vst v7;
	v7 =	vadd.s32 v4, v13;
	v13 =	vld.idx.msk [tilespmem:v19+s11+$0x0], $0xffff  }
0x209: {  	v14 =	vadd.s32 v4, v14;
	[tilespmem:s29+$0xFFFFFFC0] =	vst v12;
	v12 =	vld.idx.msk [tilespmem:v20+s11+$0x0], $0xffff  }
0x20a: {  	[tilespmem:s29+$0xFFFFFFB0] =	vst v5;
	v16 =	vadd.s32 v4, v16;
	v5 =	vld.idx.msk [tilespmem:v21+s11+$0x0], $0xffff  }
0x20b: {  	s31 =	simm.s32 $0x70;
	[tilespmem:s29+$0x0] =	vst v6;
	v6 =	vadd.s32 v4, v18;
	v59 =	vld.idx.msk [tilespmem:v9+s11+$0x0], $0xffff  }
0x20c: {  	v60 =	vor.u32 s31, v0;
	v11 =	vadd.s32 v4, v11;
	[tilespmem:s28+$0xFFFFF390] =	vst v15;
	v15 =	vld.idx.msk [tilespmem:v8+s11+$0x0], $0xffff  }
0x20d: {  	v61 =	vadd.s32 v3, v60;
	[tilespmem:s28+$0xFFFFF3F0] =	vst v17;
	v62 =	vld.idx.msk [tilespmem:v7+s12+$0x0], $0xffff  }
0x20e: {  	v63 =	vadd.s32 v4, v10;
	[tilespmem:s28+$0xFFFFF3E0] =	vst v13;
	v10 =	vld.idx.msk [tilespmem:v14+s12+$0x0], $0xffff  }
0x20f: {  	[tilespmem:s28+$0xFFFFF3A0] =	vst v12;
	v12 =	vadd.s32 v4, v22;
	v9 =	vld.idx.msk [tilespmem:v16+s12+$0x0], $0xffff  }
0x210: {  	[tilespmem:s28+$0xFFFFF3D0] =	vst v5;
	v8 =	vld.idx.msk [tilespmem:v6+s12+$0x0], $0xffff  }
0x211: {  	[tilespmem:s28+$0xFFFFF3B0] =	vst v59;
	v7 =	vld.idx.msk [tilespmem:v11+s12+$0x0], $0xffff  }
0x212: {  	v11 =	vld.idx.msk [tilespmem:v61+s11+$0x0], $0xffff;
	[tilespmem:s28+$0xFFFFF3C0] =	vst v15  }
0x213: {  	s1 =	sadd.s32 $0x400, s28;
	s29 =	simm.s32 $0x80;
	v6 =	vadd.s32 v4, v60;
	v5 =	vld.idx.msk [tilespmem:v63+s12+$0x0], $0xffff;
	[tilespmem:s28+$0xFFFFFF90] =	vst v62  }
.LBB2_28:
0x214: {  	v13 =	vor.u32 s29, v0;
	s0 =	sadd.s32 $0x40, s29;
	s5 =	sadd.s32 $0x50, s29;
	s6 =	sadd.s32 $0x60, s29;
	v12 =	vld.idx.msk [tilespmem:v12+s12+$0x0], $0xffff;
	[tilespmem:s28+$0xFFFFFFF0] =	vst v10  }
0x215: {  	s8 =	sadd.s32 $0x10, s29;
	s9 =	sadd.s32 $0x20, s29;
	v10 =	vor.u32 s0, v0;
	v14 =	vor.u32 s5, v0;
	v15 =	vor.u32 s6, v0;
	s0 =	sadd.s32 $0x70, s29;
	[tilespmem:s28+$0xFFFFFFE0] =	vst v9  }
0x216: {  	p1 =	slt.u32 s29, $0x100;
	v9 =	vadd.s32 v3, v13;
	v16 =	vor.u32 s8, v0;
	v17 =	vor.u32 s9, v0;
	s5 =	sadd.s32 $0x30, s29;
	s29 =	sadd.s32 $0x80, s29;
	[tilespmem:s28+$0xFFFFFFA0] =	vst v8  }
0x217: {  	v8 =	vadd.s32 v3, v16;
	v18 =	vadd.s32 v3, v17;
	v19 =	vadd.s32 v3, v15;
	[tilespmem:s28+$0xFFFFFFD0] =	vst v7  }
0x218: {  	v20 =	vadd.s32 v3, v14;
	v21 =	vor.u32 s0, v0;
	v7 =	vor.u32 s5, v0;
	[tilespmem:s28+$0xFFFFF400] =	vst v11  }
0x219: {  	v22 =	vadd.s32 v3, v10;
	v23 =	vadd.s32 v3, v21;
	v11 =	vadd.s32 v3, v7;
	v6 =	vld.idx.msk [tilespmem:v6+s12+$0x0], $0xffff  }
0x21a: {  	[tilespmem:s28+$0xFFFFFFC0] =	vst v12  }
0x21b: {  	v9 =	vld.idx.msk [tilespmem:v9+s11+$0x0], $0xffff;
	[tilespmem:s28+$0xFFFFFFB0] =	vst v5  }
0x21c: {  	v5 =	vld.idx.msk [tilespmem:v19+s11+$0x0], $0xffff  }
0x21d: {  	v12 =	vadd.s32 v4, v13;
	v13 =	vld.idx.msk [tilespmem:v20+s11+$0x0], $0xffff  }
0x21e: {  	v15 =	vadd.s32 v4, v15;
	v8 =	vld.idx.msk [tilespmem:v8+s11+$0x0], $0xffff  }
0x21f: {  	v14 =	vadd.s32 v4, v14;
	v19 =	vld.idx.msk [tilespmem:v22+s11+$0x0], $0xffff;
	[tilespmem:s28+$0x0] =	vst v6;
	s28 =	smov.u32 s1  }
0x220: {  	v16 =	vadd.s32 v4, v16;
	v18 =	vld.idx.msk [tilespmem:v18+s11+$0x0], $0xffff  }
0x221: {  	v20 =	vadd.s32 v4, v10;
	[tilespmem:s1+$0xFFFFF390] =	vst v9;
	v11 =	vld.idx.msk [tilespmem:v11+s11+$0x0], $0xffff  }
0x222: {  	v22 =	vld.idx.msk [tilespmem:v12+s12+$0x0], $0xffff;
	[tilespmem:s1+$0xFFFFF3F0] =	vst v5  }
0x223: {  	v6 =	vadd.s32 v4, v21;
	v5 =	vadd.s32 v4, v17;
	[tilespmem:s1+$0xFFFFF3E0] =	vst v13;
	v10 =	vld.idx.msk [tilespmem:v15+s12+$0x0], $0xffff  }
.Ltmp12:
0x224: {  	v12 =	vadd.s32 v4, v7;
	[tilespmem:s1+$0xFFFFF3A0] =	vst v8;
	v9 =	vld.idx.msk [tilespmem:v14+s12+$0x0], $0xffff;
	(pc) =	sbr.rel @p1 .LBB2_28-.Ltmp12, $4  }
0x225: {  	v8 =	vld.idx.msk [tilespmem:v16+s12+$0x0], $0xffff;
	[tilespmem:s1+$0xFFFFF3D0] =	vst v19  }
0x226: {  	[tilespmem:s1+$0xFFFFF3B0] =	vst v18;
	v7 =	vld.idx.msk [tilespmem:v20+s12+$0x0], $0xffff  }
0x227: {  	[tilespmem:s1+$0xFFFFF3C0] =	vst v11;
	v11 =	vld.idx.msk [tilespmem:v23+s11+$0x0], $0xffff  }
0x228: {  	s1 =	sadd.s32 $0x400, s1;
	[tilespmem:s28+$0xFFFFFF90] =	vst v22;
	v5 =	vld.idx.msk [tilespmem:v5+s12+$0x0], $0xffff  }
0x229: {  	s0 =	sor.u32 $0x3, s25  }
0x22a: {  	v4 =	vmov s0  }
0x22b: {  	s5 =	simm.s32 $0x0;
	v3 =	vperm.xlane v1, v4  }
0x22c: {  	s6 =	simm.s32 $0x60;
	v13 =	vor.u32 s5, v0  }
0x22d: {  	s29 =	simm.s32 $0x20;
	v14 =	vor.u32 s6, v0;
	v15 =	vadd.s32 v3, v13  }
0x22e: {  	s1 =	simm.s32 $0x50;
	[tilespmem:s28+$0xFFFFFFF0] =	vst v10;
	v10 =	vor.u32 s29, v0;
	v17 =	vadd.s32 v3, v14  }
0x22f: {  	s8 =	simm.s32 $0x10;
	[tilespmem:s28+$0xFFFFFFE0] =	vst v9;
	v16 =	vor.u32 s1, v0;
	v9 =	vadd.s32 v3, v10  }
0x230: {  	s9 =	simm.s32 $0x40;
	v12 =	vld.idx.msk [tilespmem:v12+s12+$0x0], $0xffff;
	v18 =	vor.u32 s8, v0;
	[tilespmem:s28+$0xFFFFF400] =	vst v11;
	v19 =	vadd.s32 v3, v16  }
0x231: {  	s30 =	simm.s32 $0x30;
	v11 =	vor.u32 s9, v0;
	v20 =	vadd.s32 v3, v18;
	v6 =	vld.idx.msk [tilespmem:v6+s12+$0x0], $0xffff  }
0x232: {  	s31 =	simm.s32 $0x70;
	v22 =	vor.u32 s30, v0;
	[tilespmem:s28+$0xFFFFFFA0] =	vst v8;
	v21 =	vadd.s32 v3, v11;
	v15 =	vld.idx.msk [tilespmem:v15+s11+$0x0], $0xffff  }
0x233: {  	v60 =	vor.u32 s31, v0;
	v4 =	vperm.xlane v2, v4;
	[tilespmem:s28+$0xFFFFFFD0] =	vst v7;
	v8 =	vadd.s32 v3, v22;
	v17 =	vld.idx.msk [tilespmem:v17+s11+$0x0], $0xffff  }
0x234: {  	[tilespmem:s28+$0xFFFFFFB0] =	vst v5;
	v61 =	vadd.s32 v3, v60;
	v9 =	vld.idx.msk [tilespmem:v9+s11+$0x0], $0xffff  }
0x235: {  	v7 =	vadd.s32 v4, v13;
	[tilespmem:s28+$0xFFFFFFC0] =	vst v12;
	v13 =	vld.idx.msk [tilespmem:v19+s11+$0x0], $0xffff  }
0x236: {  	v14 =	vadd.s32 v4, v14;
	v12 =	vld.idx.msk [tilespmem:v20+s11+$0x0], $0xffff;
	[tilespmem:s28+$0x0] =	vst v6  }
0x237: {  	v16 =	vadd.s32 v4, v16;
	v5 =	vld.idx.msk [tilespmem:v21+s11+$0x0], $0xffff;
	[tilespmem:s26+$0xFFFFF390] =	vst v15  }
0x238: {  	v6 =	vadd.s32 v4, v18;
	v15 =	vld.idx.msk [tilespmem:v8+s11+$0x0], $0xffff;
	[tilespmem:s26+$0xFFFFF3F0] =	vst v17  }
0x239: {  	v8 =	vadd.s32 v4, v11;
	[tilespmem:s26+$0xFFFFF3B0] =	vst v9;
	v9 =	vld.idx.msk [tilespmem:v61+s11+$0x0], $0xffff  }
0x23a: {  	v63 =	vadd.s32 v4, v10;
	[tilespmem:s26+$0xFFFFF3E0] =	vst v13;
	v62 =	vld.idx.msk [tilespmem:v7+s12+$0x0], $0xffff  }
0x23b: {  	[tilespmem:s26+$0xFFFFF3A0] =	vst v12;
	v12 =	vadd.s32 v4, v22;
	v11 =	vld.idx.msk [tilespmem:v14+s12+$0x0], $0xffff  }
0x23c: {  	v10 =	vld.idx.msk [tilespmem:v16+s12+$0x0], $0xffff  }
0x23d: {  	[tilespmem:s26+$0xFFFFF3D0] =	vst v5;
	v7 =	vld.idx.msk [tilespmem:v6+s12+$0x0], $0xffff  }
0x23e: {  	v8 =	vld.idx.msk [tilespmem:v8+s12+$0x0], $0xffff;
	[tilespmem:s26+$0xFFFFF3C0] =	vst v15  }
0x23f: {  	s1 =	sadd.s32 $0x400, s26;
	s28 =	simm.s32 $0x80;
	v5 =	vadd.s32 v4, v60;
	v6 =	vld.idx.msk [tilespmem:v63+s12+$0x0], $0xffff;
	[tilespmem:s26+$0xFFFFFF90] =	vst v62  }
.LBB2_30:
0x240: {  	v13 =	vor.u32 s28, v0;
	s0 =	sadd.s32 $0x40, s28;
	s5 =	sadd.s32 $0x50, s28;
	s6 =	sadd.s32 $0x60, s28;
	v12 =	vld.idx.msk [tilespmem:v12+s12+$0x0], $0xffff;
	[tilespmem:s26+$0xFFFFFFF0] =	vst v11  }
0x241: {  	s8 =	sadd.s32 $0x10, s28;
	s9 =	sadd.s32 $0x20, s28;
	v11 =	vor.u32 s0, v0;
	v14 =	vor.u32 s5, v0;
	v15 =	vor.u32 s6, v0;
	s0 =	sadd.s32 $0x70, s28;
	[tilespmem:s26+$0xFFFFFFE0] =	vst v10  }
0x242: {  	p1 =	slt.u32 s28, $0x100;
	v10 =	vadd.s32 v3, v13;
	v16 =	vor.u32 s8, v0;
	v17 =	vor.u32 s9, v0;
	s5 =	sadd.s32 $0x30, s28;
	s28 =	sadd.s32 $0x80, s28;
	[tilespmem:s26+$0xFFFFFFA0] =	vst v7  }
0x243: {  	v7 =	vadd.s32 v3, v16;
	v18 =	vadd.s32 v3, v17;
	v19 =	vadd.s32 v3, v15;
	[tilespmem:s26+$0xFFFFFFD0] =	vst v8  }
0x244: {  	v20 =	vadd.s32 v3, v14;
	v21 =	vor.u32 s0, v0;
	v8 =	vor.u32 s5, v0;
	[tilespmem:s26+$0xFFFFF400] =	vst v9  }
0x245: {  	v22 =	vadd.s32 v3, v11;
	v23 =	vadd.s32 v3, v21;
	v9 =	vadd.s32 v3, v8;
	v5 =	vld.idx.msk [tilespmem:v5+s12+$0x0], $0xffff  }
0x246: {  	[tilespmem:s26+$0xFFFFFFC0] =	vst v12  }
0x247: {  	v10 =	vld.idx.msk [tilespmem:v10+s11+$0x0], $0xffff;
	[tilespmem:s26+$0xFFFFFFB0] =	vst v6  }
0x248: {  	v6 =	vld.idx.msk [tilespmem:v19+s11+$0x0], $0xffff  }
0x249: {  	v12 =	vadd.s32 v4, v13;
	v13 =	vld.idx.msk [tilespmem:v20+s11+$0x0], $0xffff  }
0x24a: {  	v15 =	vadd.s32 v4, v15;
	v7 =	vld.idx.msk [tilespmem:v7+s11+$0x0], $0xffff  }
0x24b: {  	v14 =	vadd.s32 v4, v14;
	v19 =	vld.idx.msk [tilespmem:v22+s11+$0x0], $0xffff;
	[tilespmem:s26+$0x0] =	vst v5;
	s26 =	smov.u32 s1  }
0x24c: {  	v16 =	vadd.s32 v4, v16;
	v18 =	vld.idx.msk [tilespmem:v18+s11+$0x0], $0xffff  }
0x24d: {  	v20 =	vadd.s32 v4, v11;
	[tilespmem:s1+$0xFFFFF390] =	vst v10;
	v9 =	vld.idx.msk [tilespmem:v9+s11+$0x0], $0xffff  }
0x24e: {  	v22 =	vld.idx.msk [tilespmem:v12+s12+$0x0], $0xffff;
	[tilespmem:s1+$0xFFFFF3F0] =	vst v6  }
0x24f: {  	v5 =	vadd.s32 v4, v21;
	v6 =	vadd.s32 v4, v17;
	[tilespmem:s1+$0xFFFFF3E0] =	vst v13;
	v11 =	vld.idx.msk [tilespmem:v15+s12+$0x0], $0xffff  }
.Ltmp13:
0x250: {  	v12 =	vadd.s32 v4, v8;
	[tilespmem:s1+$0xFFFFF3A0] =	vst v7;
	v10 =	vld.idx.msk [tilespmem:v14+s12+$0x0], $0xffff;
	(pc) =	sbr.rel @p1 .LBB2_30-.Ltmp13, $4  }
0x251: {  	v7 =	vld.idx.msk [tilespmem:v16+s12+$0x0], $0xffff;
	[tilespmem:s1+$0xFFFFF3D0] =	vst v19  }
0x252: {  	[tilespmem:s1+$0xFFFFF3B0] =	vst v18;
	v8 =	vld.idx.msk [tilespmem:v20+s12+$0x0], $0xffff  }
0x253: {  	[tilespmem:s1+$0xFFFFF3C0] =	vst v9;
	v9 =	vld.idx.msk [tilespmem:v23+s11+$0x0], $0xffff  }
0x254: {  	s1 =	sadd.s32 $0x400, s1;
	[tilespmem:s26+$0xFFFFFF90] =	vst v22;
	v6 =	vld.idx.msk [tilespmem:v6+s12+$0x0], $0xffff  }
0x255: {  	_ =	sdelay $0x2  }
0x256: {  	[tilespmem:s26+$0xFFFFFFF0] =	vst v11  }
0x257: {  	v3 =	vld.idx.msk [tilespmem:v12+s12+$0x0], $0xffff;
	[tilespmem:s26+$0xFFFFF400] =	vst v9  }
0x258: {  	[tilespmem:s26+$0xFFFFFFE0] =	vst v10;
	p1 =	slt.u32 s25, $0xC;
	v4 =	vld.idx.msk [tilespmem:v5+s12+$0x0], $0xffff  }
.Ltmp14:
0x259: {  	[tilespmem:s26+$0xFFFFFFA0] =	vst v7;
	(pc) =	sbr.rel @p1 .LBB2_23-.Ltmp14, $4  }
0x25a: {  	[tilespmem:s26+$0xFFFFFFD0] =	vst v8  }
0x25b: {  	[tilespmem:s26+$0xFFFFFFB0] =	vst v6  }
0x25c: {  	s25 =	sadd.s32 $0x4, s25;
	[tilespmem:s26+$0xFFFFFFC0] =	vst v3  }
0x25d: {  	p0 =	por !p0, !p0;
	s24 =	sadd.s32 $0x4, s24;
	s23 =	sadd.s32 $0x2, s23;
	[tilespmem:s26+$0x0] =	vst v4  }
0x25e: {  	v1 =	vld [tilespmem:s20+$0x30];
	_ =	sdelay $0x4  }
0x25f: {  	s20 =	simm.s32 $0x0;
	p0 =	por $0x0, $0x0;
	s22 =	simm.s32 $0x10;
	v2 =	vshrl.u32 v1, $0x6;
	v3 =	vand.u32 $0x3F, v1  }
0x260: {  	s23 =	simm.s32 $0x0;
	s24 =	simm.s32 $0x0;
	s25 =	simm.s32 $0x0;
	v1 =	vmul.u32 $0x181, v2;
	v2 =	vmul.u32 $0x181, v3  }
.LBB2_33:
0x261: {  	v4 =	vmov s25  }
0x262: {  	v3 =	vperm.xlane v1, v4  }
0x263: {  	v5 =	vor.u32 s20, v0;
	s0 =	simm.s32 $0x60  }
0x264: {  	s1 =	simm.s32 $0x50;
	v6 =	vor.u32 s0, v0;
	v7 =	vadd.s32 v3, v5  }
0x265: {  	s5 =	simm.s32 $0x10;
	v8 =	vor.u32 s1, v0;
	v9 =	vadd.s32 v3, v6  }
0x266: {  	s6 =	simm.s32 $0x40;
	v10 =	vor.u32 s5, v0;
	v11 =	vadd.s32 v3, v8  }
0x267: {  	s8 =	simm.s32 $0x20;
	v12 =	vor.u32 s6, v0;
	v13 =	vadd.s32 v3, v10  }
0x268: {  	s9 =	simm.s32 $0x30;
	v14 =	vor.u32 s8, v0;
	v15 =	vadd.s32 v3, v12  }
0x269: {  	s26 =	sshrl.u32 s25, $0x3;
	s5 =	simm.s32 $0x1;
	v4 =	vperm.xlane v2, v4;
	v17 =	vor.u32 s9, v0;
	v16 =	vadd.s32 v3, v14;
	v7 =	vld.idx.msk [tilespmem:v7+s11+$0x0], $0xffff  }
0x26a: {  	s1 =	smul.u32 $0x6000, s26;
	s5 =	simm.s32 @!p0 $0x0;
	v18 =	vadd.s32 v3, v17;
	v9 =	vld.idx.msk [tilespmem:v9+s11+$0x0], $0xffff  }
0x26b: {  	s5 =	sshll.u32 s5, $0xB;
	v5 =	vadd.s32 v4, v5;
	v11 =	vld.idx.msk [tilespmem:v11+s11+$0x0], $0xffff  }
0x26c: {  	v6 =	vadd.s32 v4, v6;
	s0 =	sor.u32 s5, s1;
	v13 =	vld.idx.msk [tilespmem:v13+s11+$0x0], $0xffff  }
0x26d: {  	v8 =	vadd.s32 v4, v8;
	s0 =	sshra.s32 s0, $0x2;
	v15 =	vld.idx.msk [tilespmem:v15+s11+$0x0], $0xffff  }
0x26e: {  	v12 =	vadd.s32 v4, v12;
	s30 =	sadd.s32 $0x10B70, s0;
	v16 =	vld.idx.msk [tilespmem:v16+s11+$0x0], $0xffff  }
0x26f: {  	s6 =	simm.s32 $0x70;
	[tilespmem:s30+$0xFFFFF390] =	vst v7;
	v7 =	vld.idx.msk [tilespmem:v18+s11+$0x0], $0xffff  }
0x270: {  	v20 =	vor.u32 s6, v0;
	v19 =	vadd.s32 v4, v10;
	[tilespmem:s30+$0xFFFFF3F0] =	vst v9;
	v5 =	vld.idx.msk [tilespmem:v5+s12+$0x0], $0xffff  }
0x271: {  	s8 =	sshrl.u32 s22, $0x3;
	v63 =	vadd.s32 v3, v20;
	[tilespmem:s30+$0xFFFFF3E0] =	vst v11;
	v10 =	vld.idx.msk [tilespmem:v6+s12+$0x0], $0xffff  }
0x272: {  	s9 =	sand.u32 $0x7, s24;
	v14 =	vadd.s32 v4, v14;
	s0 =	smul.u32 $0x6000, s8;
	[tilespmem:s30+$0xFFFFF3D0] =	vst v15;
	v9 =	vld.idx.msk [tilespmem:v8+s12+$0x0], $0xffff  }
0x273: {  	s26 =	sand.u32 $0x3, s23;
	s1 =	sshll.u32 s9, $0x9;
	v8 =	vld.idx.msk [tilespmem:v12+s12+$0x0], $0xffff;
	v12 =	vadd.s32 v4, v17  }
0x274: {  	s5 =	sshll.u32 s26, $0xA;
	s1 =	sor.u32 s1, s0;
	[tilespmem:s30+$0xFFFFF3A0] =	vst v13  }
0x275: {  	s0 =	sor.u32 s5, s0;
	s1 =	sshra.s32 s1, $0x2;
	[tilespmem:s30+$0xFFFFF3B0] =	vst v16;
	v6 =	vld.idx.msk [tilespmem:v19+s12+$0x0], $0xffff  }
0x276: {  	s31 =	simm.s32 $0x80;
	s0 =	sshra.s32 s0, $0x2;
	s26 =	sadd.s32 $0xDCF0, s1;
	v11 =	vld.idx.msk [tilespmem:v63+s11+$0x0], $0xffff;
	[tilespmem:s30+$0xFFFFF3C0] =	vst v7  }
0x277: {  	s28 =	sadd.s32 $0xDC70, s0;
	s29 =	sadd.s32 $0xDBF0, s1;
	s1 =	sadd.s32 $0x400, s30;
	v7 =	vadd.s32 v4, v20;
	[tilespmem:s30+$0xFFFFFF90] =	vst v5;
	v5 =	vld.idx.msk [tilespmem:v14+s12+$0x0], $0xffff  }
.LBB2_34:
0x278: {  	v13 =	vor.u32 s31, v0;
	s0 =	sadd.s32 $0x40, s31;
	s5 =	sadd.s32 $0x50, s31;
	s6 =	sadd.s32 $0x60, s31;
	v12 =	vld.idx.msk [tilespmem:v12+s12+$0x0], $0xffff;
	[tilespmem:s30+$0xFFFFFFF0] =	vst v10  }
0x279: {  	s8 =	sadd.s32 $0x10, s31;
	s9 =	sadd.s32 $0x20, s31;
	v10 =	vor.u32 s0, v0;
	v14 =	vor.u32 s5, v0;
	v15 =	vor.u32 s6, v0;
	s0 =	sadd.s32 $0x70, s31;
	[tilespmem:s30+$0xFFFFFFE0] =	vst v9  }
0x27a: {  	p1 =	slt.u32 s31, $0x100;
	v9 =	vadd.s32 v3, v13;
	v16 =	vor.u32 s8, v0;
	v17 =	vor.u32 s9, v0;
	s5 =	sadd.s32 $0x30, s31;
	s31 =	sadd.s32 $0x80, s31;
	[tilespmem:s30+$0xFFFFFFA0] =	vst v6  }
0x27b: {  	v6 =	vadd.s32 v3, v16;
	v18 =	vadd.s32 v3, v17;
	v19 =	vadd.s32 v3, v15;
	[tilespmem:s30+$0xFFFFFFD0] =	vst v8  }
0x27c: {  	v20 =	vadd.s32 v3, v14;
	v21 =	vor.u32 s0, v0;
	v8 =	vor.u32 s5, v0;
	[tilespmem:s30+$0xFFFFF400] =	vst v11  }
0x27d: {  	v22 =	vadd.s32 v3, v10;
	v23 =	vadd.s32 v3, v21;
	v11 =	vadd.s32 v3, v8;
	v7 =	vld.idx.msk [tilespmem:v7+s12+$0x0], $0xffff  }
0x27e: {  	[tilespmem:s30+$0xFFFFFFC0] =	vst v12  }
0x27f: {  	v9 =	vld.idx.msk [tilespmem:v9+s11+$0x0], $0xffff;
	[tilespmem:s30+$0xFFFFFFB0] =	vst v5  }
0x280: {  	v5 =	vld.idx.msk [tilespmem:v19+s11+$0x0], $0xffff  }
0x281: {  	v12 =	vadd.s32 v4, v13;
	v13 =	vld.idx.msk [tilespmem:v20+s11+$0x0], $0xffff  }
0x282: {  	v15 =	vadd.s32 v4, v15;
	v6 =	vld.idx.msk [tilespmem:v6+s11+$0x0], $0xffff  }
0x283: {  	v14 =	vadd.s32 v4, v14;
	v19 =	vld.idx.msk [tilespmem:v22+s11+$0x0], $0xffff;
	[tilespmem:s30+$0x0] =	vst v7;
	s30 =	smov.u32 s1  }
0x284: {  	v16 =	vadd.s32 v4, v16;
	v18 =	vld.idx.msk [tilespmem:v18+s11+$0x0], $0xffff  }
0x285: {  	v20 =	vadd.s32 v4, v10;
	[tilespmem:s1+$0xFFFFF390] =	vst v9;
	v11 =	vld.idx.msk [tilespmem:v11+s11+$0x0], $0xffff  }
0x286: {  	v22 =	vld.idx.msk [tilespmem:v12+s12+$0x0], $0xffff;
	[tilespmem:s1+$0xFFFFF3F0] =	vst v5  }
0x287: {  	v7 =	vadd.s32 v4, v21;
	v5 =	vadd.s32 v4, v17;
	[tilespmem:s1+$0xFFFFF3E0] =	vst v13;
	v10 =	vld.idx.msk [tilespmem:v15+s12+$0x0], $0xffff  }
.Ltmp15:
0x288: {  	v12 =	vadd.s32 v4, v8;
	[tilespmem:s1+$0xFFFFF3A0] =	vst v6;
	v9 =	vld.idx.msk [tilespmem:v14+s12+$0x0], $0xffff;
	(pc) =	sbr.rel @p1 .LBB2_34-.Ltmp15, $4  }
0x289: {  	v6 =	vld.idx.msk [tilespmem:v16+s12+$0x0], $0xffff;
	[tilespmem:s1+$0xFFFFF3D0] =	vst v19  }
0x28a: {  	[tilespmem:s1+$0xFFFFF3B0] =	vst v18;
	v8 =	vld.idx.msk [tilespmem:v20+s12+$0x0], $0xffff  }
0x28b: {  	[tilespmem:s1+$0xFFFFF3C0] =	vst v11;
	v11 =	vld.idx.msk [tilespmem:v23+s11+$0x0], $0xffff  }
0x28c: {  	s1 =	sadd.s32 $0x400, s1;
	[tilespmem:s30+$0xFFFFFF90] =	vst v22;
	v5 =	vld.idx.msk [tilespmem:v5+s12+$0x0], $0xffff  }
0x28d: {  	s0 =	sor.u32 $0x1, s25  }
0x28e: {  	v4 =	vmov s0  }
0x28f: {  	s9 =	simm.s32 $0x0;
	v3 =	vperm.xlane v1, v4  }
0x290: {  	s31 =	simm.s32 $0x60;
	v13 =	vor.u32 s9, v0  }
0x291: {  	s1 =	simm.s32 $0x50;
	v14 =	vor.u32 s31, v0;
	v15 =	vadd.s32 v3, v13  }
0x292: {  	s5 =	simm.s32 $0x10;
	v16 =	vor.u32 s1, v0;
	v17 =	vadd.s32 v3, v14  }
0x293: {  	s6 =	simm.s32 $0x40;
	v18 =	vor.u32 s5, v0;
	v19 =	vadd.s32 v3, v16  }
0x294: {  	v12 =	vld.idx.msk [tilespmem:v12+s12+$0x0], $0xffff;
	s8 =	simm.s32 $0x20;
	[tilespmem:s30+$0xFFFFF400] =	vst v11;
	v11 =	vor.u32 s6, v0;
	v20 =	vadd.s32 v3, v18  }
0x295: {  	[tilespmem:s30+$0xFFFFFFF0] =	vst v10;
	v10 =	vor.u32 s8, v0;
	s9 =	simm.s32 $0x30;
	v7 =	vld.idx.msk [tilespmem:v7+s12+$0x0], $0xffff;
	v21 =	vadd.s32 v3, v11  }
0x296: {  	[tilespmem:s30+$0xFFFFFFE0] =	vst v9;
	v4 =	vperm.xlane v2, v4;
	v22 =	vor.u32 s9, v0;
	v9 =	vadd.s32 v3, v10;
	v15 =	vld.idx.msk [tilespmem:v15+s11+$0x0], $0xffff  }
0x297: {  	[tilespmem:s30+$0xFFFFFFA0] =	vst v6;
	v6 =	vadd.s32 v3, v22;
	v17 =	vld.idx.msk [tilespmem:v17+s11+$0x0], $0xffff  }
0x298: {  	[tilespmem:s30+$0xFFFFFFD0] =	vst v8;
	v8 =	vadd.s32 v4, v13;
	v13 =	vld.idx.msk [tilespmem:v19+s11+$0x0], $0xffff  }
0x299: {  	v14 =	vadd.s32 v4, v14;
	[tilespmem:s30+$0xFFFFFFC0] =	vst v12;
	v12 =	vld.idx.msk [tilespmem:v20+s11+$0x0], $0xffff  }
0x29a: {  	[tilespmem:s30+$0xFFFFFFB0] =	vst v5;
	v16 =	vadd.s32 v4, v16;
	v5 =	vld.idx.msk [tilespmem:v21+s11+$0x0], $0xffff  }
0x29b: {  	[tilespmem:s30+$0x0] =	vst v7;
	v7 =	vadd.s32 v4, v18;
	v60 =	vld.idx.msk [tilespmem:v9+s11+$0x0], $0xffff  }
0x29c: {  	s31 =	simm.s32 $0x70;
	v11 =	vadd.s32 v4, v11;
	v6 =	vld.idx.msk [tilespmem:v6+s11+$0x0], $0xffff;
	[tilespmem:s29+$0xFFFFF390] =	vst v15  }
0x29d: {  	v61 =	vor.u32 s31, v0;
	v63 =	vadd.s32 v4, v10;
	[tilespmem:s29+$0xFFFFF3F0] =	vst v17;
	v62 =	vld.idx.msk [tilespmem:v8+s12+$0x0], $0xffff  }
0x29e: {  	v15 =	vadd.s32 v3, v61;
	[tilespmem:s29+$0xFFFFF3E0] =	vst v13;
	v10 =	vld.idx.msk [tilespmem:v14+s12+$0x0], $0xffff  }
0x29f: {  	[tilespmem:s29+$0xFFFFF3A0] =	vst v12;
	v12 =	vadd.s32 v4, v22;
	v9 =	vld.idx.msk [tilespmem:v16+s12+$0x0], $0xffff  }
0x2a0: {  	[tilespmem:s29+$0xFFFFF3D0] =	vst v5;
	v8 =	vld.idx.msk [tilespmem:v7+s12+$0x0], $0xffff  }
0x2a1: {  	[tilespmem:s29+$0xFFFFF3B0] =	vst v60;
	v7 =	vld.idx.msk [tilespmem:v11+s12+$0x0], $0xffff  }
0x2a2: {  	[tilespmem:s29+$0xFFFFF3C0] =	vst v6;
	v5 =	vld.idx.msk [tilespmem:v63+s12+$0x0], $0xffff  }
0x2a3: {  	s1 =	sadd.s32 $0x400, s29;
	s30 =	simm.s32 $0x80;
	v6 =	vadd.s32 v4, v61;
	v11 =	vld.idx.msk [tilespmem:v15+s11+$0x0], $0xffff;
	[tilespmem:s29+$0xFFFFFF90] =	vst v62  }
.LBB2_36:
0x2a4: {  	v13 =	vor.u32 s30, v0;
	s0 =	sadd.s32 $0x40, s30;
	s5 =	sadd.s32 $0x50, s30;
	s6 =	sadd.s32 $0x60, s30;
	v12 =	vld.idx.msk [tilespmem:v12+s12+$0x0], $0xffff;
	[tilespmem:s29+$0xFFFFFFF0] =	vst v10  }
0x2a5: {  	s8 =	sadd.s32 $0x10, s30;
	s9 =	sadd.s32 $0x20, s30;
	v10 =	vor.u32 s0, v0;
	v14 =	vor.u32 s5, v0;
	v15 =	vor.u32 s6, v0;
	s0 =	sadd.s32 $0x70, s30;
	[tilespmem:s29+$0xFFFFFFE0] =	vst v9  }
0x2a6: {  	p1 =	slt.u32 s30, $0x100;
	v9 =	vadd.s32 v3, v13;
	v16 =	vor.u32 s8, v0;
	v17 =	vor.u32 s9, v0;
	s5 =	sadd.s32 $0x30, s30;
	s30 =	sadd.s32 $0x80, s30;
	[tilespmem:s29+$0xFFFFFFA0] =	vst v8  }
0x2a7: {  	v8 =	vadd.s32 v3, v16;
	v18 =	vadd.s32 v3, v17;
	v19 =	vadd.s32 v3, v15;
	[tilespmem:s29+$0xFFFFFFD0] =	vst v7  }
0x2a8: {  	v20 =	vadd.s32 v3, v14;
	v21 =	vor.u32 s0, v0;
	v7 =	vor.u32 s5, v0;
	[tilespmem:s29+$0xFFFFF400] =	vst v11  }
0x2a9: {  	v22 =	vadd.s32 v3, v10;
	v23 =	vadd.s32 v3, v21;
	v11 =	vadd.s32 v3, v7;
	v6 =	vld.idx.msk [tilespmem:v6+s12+$0x0], $0xffff  }
0x2aa: {  	[tilespmem:s29+$0xFFFFFFC0] =	vst v12  }
0x2ab: {  	v9 =	vld.idx.msk [tilespmem:v9+s11+$0x0], $0xffff;
	[tilespmem:s29+$0xFFFFFFB0] =	vst v5  }
0x2ac: {  	v5 =	vld.idx.msk [tilespmem:v19+s11+$0x0], $0xffff  }
0x2ad: {  	v12 =	vadd.s32 v4, v13;
	v13 =	vld.idx.msk [tilespmem:v20+s11+$0x0], $0xffff  }
0x2ae: {  	v15 =	vadd.s32 v4, v15;
	v8 =	vld.idx.msk [tilespmem:v8+s11+$0x0], $0xffff  }
0x2af: {  	v14 =	vadd.s32 v4, v14;
	v19 =	vld.idx.msk [tilespmem:v22+s11+$0x0], $0xffff;
	[tilespmem:s29+$0x0] =	vst v6;
	s29 =	smov.u32 s1  }
0x2b0: {  	v16 =	vadd.s32 v4, v16;
	v18 =	vld.idx.msk [tilespmem:v18+s11+$0x0], $0xffff  }
0x2b1: {  	v20 =	vadd.s32 v4, v10;
	[tilespmem:s1+$0xFFFFF390] =	vst v9;
	v11 =	vld.idx.msk [tilespmem:v11+s11+$0x0], $0xffff  }
0x2b2: {  	v22 =	vld.idx.msk [tilespmem:v12+s12+$0x0], $0xffff;
	[tilespmem:s1+$0xFFFFF3F0] =	vst v5  }
0x2b3: {  	v6 =	vadd.s32 v4, v21;
	v5 =	vadd.s32 v4, v17;
	[tilespmem:s1+$0xFFFFF3E0] =	vst v13;
	v10 =	vld.idx.msk [tilespmem:v15+s12+$0x0], $0xffff  }
.Ltmp16:
0x2b4: {  	v12 =	vadd.s32 v4, v7;
	[tilespmem:s1+$0xFFFFF3A0] =	vst v8;
	v9 =	vld.idx.msk [tilespmem:v14+s12+$0x0], $0xffff;
	(pc) =	sbr.rel @p1 .LBB2_36-.Ltmp16, $4  }
0x2b5: {  	v8 =	vld.idx.msk [tilespmem:v16+s12+$0x0], $0xffff;
	[tilespmem:s1+$0xFFFFF3D0] =	vst v19  }
0x2b6: {  	[tilespmem:s1+$0xFFFFF3B0] =	vst v18;
	v7 =	vld.idx.msk [tilespmem:v20+s12+$0x0], $0xffff  }
0x2b7: {  	[tilespmem:s1+$0xFFFFF3C0] =	vst v11;
	v11 =	vld.idx.msk [tilespmem:v23+s11+$0x0], $0xffff  }
0x2b8: {  	s1 =	sadd.s32 $0x400, s1;
	[tilespmem:s29+$0xFFFFFF90] =	vst v22;
	v5 =	vld.idx.msk [tilespmem:v5+s12+$0x0], $0xffff  }
0x2b9: {  	s0 =	sor.u32 $0x2, s25  }
0x2ba: {  	v4 =	vmov s0  }
0x2bb: {  	s1 =	simm.s32 $0x0;
	v3 =	vperm.xlane v1, v4  }
0x2bc: {  	s5 =	simm.s32 $0x60;
	v13 =	vor.u32 s1, v0  }
0x2bd: {  	s1 =	simm.s32 $0x50;
	v14 =	vor.u32 s5, v0;
	v15 =	vadd.s32 v3, v13  }
0x2be: {  	s6 =	simm.s32 $0x10;
	v16 =	vor.u32 s1, v0;
	v17 =	vadd.s32 v3, v14  }
0x2bf: {  	s8 =	simm.s32 $0x40;
	v18 =	vor.u32 s6, v0;
	v19 =	vadd.s32 v3, v16  }
0x2c0: {  	v12 =	vld.idx.msk [tilespmem:v12+s12+$0x0], $0xffff;
	s9 =	simm.s32 $0x20;
	[tilespmem:s29+$0xFFFFF400] =	vst v11;
	v11 =	vor.u32 s8, v0;
	v20 =	vadd.s32 v3, v18  }
0x2c1: {  	[tilespmem:s29+$0xFFFFFFF0] =	vst v10;
	s30 =	simm.s32 $0x30;
	v10 =	vor.u32 s9, v0;
	v6 =	vld.idx.msk [tilespmem:v6+s12+$0x0], $0xffff;
	v21 =	vadd.s32 v3, v11  }
0x2c2: {  	[tilespmem:s29+$0xFFFFFFE0] =	vst v9;
	v22 =	vor.u32 s30, v0;
	v4 =	vperm.xlane v2, v4;
	v9 =	vadd.s32 v3, v10;
	v15 =	vld.idx.msk [tilespmem:v15+s11+$0x0], $0xffff  }
0x2c3: {  	[tilespmem:s29+$0xFFFFFFA0] =	vst v8;
	v8 =	vadd.s32 v3, v22;
	v17 =	vld.idx.msk [tilespmem:v17+s11+$0x0], $0xffff  }
0x2c4: {  	[tilespmem:s29+$0xFFFFFFD0] =	vst v7;
	v7 =	vadd.s32 v4, v13;
	v13 =	vld.idx.msk [tilespmem:v19+s11+$0x0], $0xffff  }
0x2c5: {  	v14 =	vadd.s32 v4, v14;
	[tilespmem:s29+$0xFFFFFFC0] =	vst v12;
	v12 =	vld.idx.msk [tilespmem:v20+s11+$0x0], $0xffff  }
0x2c6: {  	[tilespmem:s29+$0xFFFFFFB0] =	vst v5;
	v16 =	vadd.s32 v4, v16;
	v5 =	vld.idx.msk [tilespmem:v21+s11+$0x0], $0xffff  }
0x2c7: {  	s31 =	simm.s32 $0x70;
	[tilespmem:s29+$0x0] =	vst v6;
	v6 =	vadd.s32 v4, v18;
	v59 =	vld.idx.msk [tilespmem:v9+s11+$0x0], $0xffff  }
0x2c8: {  	v60 =	vor.u32 s31, v0;
	v11 =	vadd.s32 v4, v11;
	[tilespmem:s28+$0xFFFFF390] =	vst v15;
	v15 =	vld.idx.msk [tilespmem:v8+s11+$0x0], $0xffff  }
0x2c9: {  	v61 =	vadd.s32 v3, v60;
	[tilespmem:s28+$0xFFFFF3F0] =	vst v17;
	v62 =	vld.idx.msk [tilespmem:v7+s12+$0x0], $0xffff  }
0x2ca: {  	v63 =	vadd.s32 v4, v10;
	[tilespmem:s28+$0xFFFFF3E0] =	vst v13;
	v10 =	vld.idx.msk [tilespmem:v14+s12+$0x0], $0xffff  }
0x2cb: {  	[tilespmem:s28+$0xFFFFF3A0] =	vst v12;
	v12 =	vadd.s32 v4, v22;
	v9 =	vld.idx.msk [tilespmem:v16+s12+$0x0], $0xffff  }
0x2cc: {  	[tilespmem:s28+$0xFFFFF3D0] =	vst v5;
	v8 =	vld.idx.msk [tilespmem:v6+s12+$0x0], $0xffff  }
0x2cd: {  	[tilespmem:s28+$0xFFFFF3B0] =	vst v59;
	v7 =	vld.idx.msk [tilespmem:v11+s12+$0x0], $0xffff  }
0x2ce: {  	v11 =	vld.idx.msk [tilespmem:v61+s11+$0x0], $0xffff;
	[tilespmem:s28+$0xFFFFF3C0] =	vst v15  }
0x2cf: {  	s1 =	sadd.s32 $0x400, s28;
	s29 =	simm.s32 $0x80;
	v6 =	vadd.s32 v4, v60;
	v5 =	vld.idx.msk [tilespmem:v63+s12+$0x0], $0xffff;
	[tilespmem:s28+$0xFFFFFF90] =	vst v62  }
.LBB2_38:
0x2d0: {  	v13 =	vor.u32 s29, v0;
	s0 =	sadd.s32 $0x40, s29;
	s5 =	sadd.s32 $0x50, s29;
	s6 =	sadd.s32 $0x60, s29;
	v12 =	vld.idx.msk [tilespmem:v12+s12+$0x0], $0xffff;
	[tilespmem:s28+$0xFFFFFFF0] =	vst v10  }
0x2d1: {  	s8 =	sadd.s32 $0x10, s29;
	s9 =	sadd.s32 $0x20, s29;
	v10 =	vor.u32 s0, v0;
	v14 =	vor.u32 s5, v0;
	v15 =	vor.u32 s6, v0;
	s0 =	sadd.s32 $0x70, s29;
	[tilespmem:s28+$0xFFFFFFE0] =	vst v9  }
0x2d2: {  	p1 =	slt.u32 s29, $0x100;
	v9 =	vadd.s32 v3, v13;
	v16 =	vor.u32 s8, v0;
	v17 =	vor.u32 s9, v0;
	s5 =	sadd.s32 $0x30, s29;
	s29 =	sadd.s32 $0x80, s29;
	[tilespmem:s28+$0xFFFFFFA0] =	vst v8  }
0x2d3: {  	v8 =	vadd.s32 v3, v16;
	v18 =	vadd.s32 v3, v17;
	v19 =	vadd.s32 v3, v15;
	[tilespmem:s28+$0xFFFFFFD0] =	vst v7  }
0x2d4: {  	v20 =	vadd.s32 v3, v14;
	v21 =	vor.u32 s0, v0;
	v7 =	vor.u32 s5, v0;
	[tilespmem:s28+$0xFFFFF400] =	vst v11  }
0x2d5: {  	v22 =	vadd.s32 v3, v10;
	v23 =	vadd.s32 v3, v21;
	v11 =	vadd.s32 v3, v7;
	v6 =	vld.idx.msk [tilespmem:v6+s12+$0x0], $0xffff  }
0x2d6: {  	[tilespmem:s28+$0xFFFFFFC0] =	vst v12  }
0x2d7: {  	v9 =	vld.idx.msk [tilespmem:v9+s11+$0x0], $0xffff;
	[tilespmem:s28+$0xFFFFFFB0] =	vst v5  }
0x2d8: {  	v5 =	vld.idx.msk [tilespmem:v19+s11+$0x0], $0xffff  }
0x2d9: {  	v12 =	vadd.s32 v4, v13;
	v13 =	vld.idx.msk [tilespmem:v20+s11+$0x0], $0xffff  }
0x2da: {  	v15 =	vadd.s32 v4, v15;
	v8 =	vld.idx.msk [tilespmem:v8+s11+$0x0], $0xffff  }
0x2db: {  	v14 =	vadd.s32 v4, v14;
	v19 =	vld.idx.msk [tilespmem:v22+s11+$0x0], $0xffff;
	[tilespmem:s28+$0x0] =	vst v6;
	s28 =	smov.u32 s1  }
0x2dc: {  	v16 =	vadd.s32 v4, v16;
	v18 =	vld.idx.msk [tilespmem:v18+s11+$0x0], $0xffff  }
0x2dd: {  	v20 =	vadd.s32 v4, v10;
	[tilespmem:s1+$0xFFFFF390] =	vst v9;
	v11 =	vld.idx.msk [tilespmem:v11+s11+$0x0], $0xffff  }
0x2de: {  	v22 =	vld.idx.msk [tilespmem:v12+s12+$0x0], $0xffff;
	[tilespmem:s1+$0xFFFFF3F0] =	vst v5  }
0x2df: {  	v6 =	vadd.s32 v4, v21;
	v5 =	vadd.s32 v4, v17;
	[tilespmem:s1+$0xFFFFF3E0] =	vst v13;
	v10 =	vld.idx.msk [tilespmem:v15+s12+$0x0], $0xffff  }
.Ltmp17:
0x2e0: {  	v12 =	vadd.s32 v4, v7;
	[tilespmem:s1+$0xFFFFF3A0] =	vst v8;
	v9 =	vld.idx.msk [tilespmem:v14+s12+$0x0], $0xffff;
	(pc) =	sbr.rel @p1 .LBB2_38-.Ltmp17, $4  }
0x2e1: {  	v8 =	vld.idx.msk [tilespmem:v16+s12+$0x0], $0xffff;
	[tilespmem:s1+$0xFFFFF3D0] =	vst v19  }
0x2e2: {  	[tilespmem:s1+$0xFFFFF3B0] =	vst v18;
	v7 =	vld.idx.msk [tilespmem:v20+s12+$0x0], $0xffff  }
0x2e3: {  	[tilespmem:s1+$0xFFFFF3C0] =	vst v11;
	v11 =	vld.idx.msk [tilespmem:v23+s11+$0x0], $0xffff  }
0x2e4: {  	s1 =	sadd.s32 $0x400, s1;
	[tilespmem:s28+$0xFFFFFF90] =	vst v22;
	v5 =	vld.idx.msk [tilespmem:v5+s12+$0x0], $0xffff  }
0x2e5: {  	s0 =	sor.u32 $0x3, s25  }
0x2e6: {  	v4 =	vmov s0  }
0x2e7: {  	s5 =	simm.s32 $0x0;
	v3 =	vperm.xlane v1, v4  }
0x2e8: {  	s6 =	simm.s32 $0x60;
	v13 =	vor.u32 s5, v0  }
0x2e9: {  	s29 =	simm.s32 $0x20;
	v14 =	vor.u32 s6, v0;
	v15 =	vadd.s32 v3, v13  }
0x2ea: {  	s1 =	simm.s32 $0x50;
	[tilespmem:s28+$0xFFFFFFF0] =	vst v10;
	v10 =	vor.u32 s29, v0;
	v17 =	vadd.s32 v3, v14  }
0x2eb: {  	s8 =	simm.s32 $0x10;
	[tilespmem:s28+$0xFFFFFFE0] =	vst v9;
	v16 =	vor.u32 s1, v0;
	v9 =	vadd.s32 v3, v10  }
0x2ec: {  	s9 =	simm.s32 $0x40;
	v12 =	vld.idx.msk [tilespmem:v12+s12+$0x0], $0xffff;
	v18 =	vor.u32 s8, v0;
	[tilespmem:s28+$0xFFFFF400] =	vst v11;
	v19 =	vadd.s32 v3, v16  }
0x2ed: {  	s30 =	simm.s32 $0x30;
	v11 =	vor.u32 s9, v0;
	v20 =	vadd.s32 v3, v18;
	v6 =	vld.idx.msk [tilespmem:v6+s12+$0x0], $0xffff  }
0x2ee: {  	s31 =	simm.s32 $0x70;
	v22 =	vor.u32 s30, v0;
	[tilespmem:s28+$0xFFFFFFA0] =	vst v8;
	v21 =	vadd.s32 v3, v11;
	v15 =	vld.idx.msk [tilespmem:v15+s11+$0x0], $0xffff  }
0x2ef: {  	v60 =	vor.u32 s31, v0;
	v4 =	vperm.xlane v2, v4;
	[tilespmem:s28+$0xFFFFFFD0] =	vst v7;
	v8 =	vadd.s32 v3, v22;
	v17 =	vld.idx.msk [tilespmem:v17+s11+$0x0], $0xffff  }
0x2f0: {  	[tilespmem:s28+$0xFFFFFFB0] =	vst v5;
	v61 =	vadd.s32 v3, v60;
	v9 =	vld.idx.msk [tilespmem:v9+s11+$0x0], $0xffff  }
0x2f1: {  	v7 =	vadd.s32 v4, v13;
	[tilespmem:s28+$0xFFFFFFC0] =	vst v12;
	v13 =	vld.idx.msk [tilespmem:v19+s11+$0x0], $0xffff  }
0x2f2: {  	v14 =	vadd.s32 v4, v14;
	v12 =	vld.idx.msk [tilespmem:v20+s11+$0x0], $0xffff;
	[tilespmem:s28+$0x0] =	vst v6  }
0x2f3: {  	v16 =	vadd.s32 v4, v16;
	v5 =	vld.idx.msk [tilespmem:v21+s11+$0x0], $0xffff;
	[tilespmem:s26+$0xFFFFF390] =	vst v15  }
0x2f4: {  	v6 =	vadd.s32 v4, v18;
	v15 =	vld.idx.msk [tilespmem:v8+s11+$0x0], $0xffff;
	[tilespmem:s26+$0xFFFFF3F0] =	vst v17  }
0x2f5: {  	v8 =	vadd.s32 v4, v11;
	[tilespmem:s26+$0xFFFFF3B0] =	vst v9;
	v9 =	vld.idx.msk [tilespmem:v61+s11+$0x0], $0xffff  }
0x2f6: {  	v63 =	vadd.s32 v4, v10;
	[tilespmem:s26+$0xFFFFF3E0] =	vst v13;
	v62 =	vld.idx.msk [tilespmem:v7+s12+$0x0], $0xffff  }
0x2f7: {  	[tilespmem:s26+$0xFFFFF3A0] =	vst v12;
	v12 =	vadd.s32 v4, v22;
	v11 =	vld.idx.msk [tilespmem:v14+s12+$0x0], $0xffff  }
0x2f8: {  	v10 =	vld.idx.msk [tilespmem:v16+s12+$0x0], $0xffff  }
0x2f9: {  	[tilespmem:s26+$0xFFFFF3D0] =	vst v5;
	v7 =	vld.idx.msk [tilespmem:v6+s12+$0x0], $0xffff  }
0x2fa: {  	v8 =	vld.idx.msk [tilespmem:v8+s12+$0x0], $0xffff;
	[tilespmem:s26+$0xFFFFF3C0] =	vst v15  }
0x2fb: {  	s1 =	sadd.s32 $0x400, s26;
	s28 =	simm.s32 $0x80;
	v5 =	vadd.s32 v4, v60;
	v6 =	vld.idx.msk [tilespmem:v63+s12+$0x0], $0xffff;
	[tilespmem:s26+$0xFFFFFF90] =	vst v62  }
.LBB2_40:
0x2fc: {  	v13 =	vor.u32 s28, v0;
	s0 =	sadd.s32 $0x40, s28;
	s5 =	sadd.s32 $0x50, s28;
	s6 =	sadd.s32 $0x60, s28;
	v12 =	vld.idx.msk [tilespmem:v12+s12+$0x0], $0xffff;
	[tilespmem:s26+$0xFFFFFFF0] =	vst v11  }
0x2fd: {  	s8 =	sadd.s32 $0x10, s28;
	s9 =	sadd.s32 $0x20, s28;
	v11 =	vor.u32 s0, v0;
	v14 =	vor.u32 s5, v0;
	v15 =	vor.u32 s6, v0;
	s0 =	sadd.s32 $0x70, s28;
	[tilespmem:s26+$0xFFFFFFE0] =	vst v10  }
0x2fe: {  	p1 =	slt.u32 s28, $0x100;
	v10 =	vadd.s32 v3, v13;
	v16 =	vor.u32 s8, v0;
	v17 =	vor.u32 s9, v0;
	s5 =	sadd.s32 $0x30, s28;
	s28 =	sadd.s32 $0x80, s28;
	[tilespmem:s26+$0xFFFFFFA0] =	vst v7  }
0x2ff: {  	v7 =	vadd.s32 v3, v16;
	v18 =	vadd.s32 v3, v17;
	v19 =	vadd.s32 v3, v15;
	[tilespmem:s26+$0xFFFFFFD0] =	vst v8  }
0x300: {  	v20 =	vadd.s32 v3, v14;
	v21 =	vor.u32 s0, v0;
	v8 =	vor.u32 s5, v0;
	[tilespmem:s26+$0xFFFFF400] =	vst v9  }
0x301: {  	v22 =	vadd.s32 v3, v11;
	v23 =	vadd.s32 v3, v21;
	v9 =	vadd.s32 v3, v8;
	v5 =	vld.idx.msk [tilespmem:v5+s12+$0x0], $0xffff  }
0x302: {  	[tilespmem:s26+$0xFFFFFFC0] =	vst v12  }
0x303: {  	v10 =	vld.idx.msk [tilespmem:v10+s11+$0x0], $0xffff;
	[tilespmem:s26+$0xFFFFFFB0] =	vst v6  }
0x304: {  	v6 =	vld.idx.msk [tilespmem:v19+s11+$0x0], $0xffff  }
0x305: {  	v12 =	vadd.s32 v4, v13;
	v13 =	vld.idx.msk [tilespmem:v20+s11+$0x0], $0xffff  }
0x306: {  	v15 =	vadd.s32 v4, v15;
	v7 =	vld.idx.msk [tilespmem:v7+s11+$0x0], $0xffff  }
0x307: {  	v14 =	vadd.s32 v4, v14;
	v19 =	vld.idx.msk [tilespmem:v22+s11+$0x0], $0xffff;
	[tilespmem:s26+$0x0] =	vst v5;
	s26 =	smov.u32 s1  }
0x308: {  	v16 =	vadd.s32 v4, v16;
	v18 =	vld.idx.msk [tilespmem:v18+s11+$0x0], $0xffff  }
0x309: {  	v20 =	vadd.s32 v4, v11;
	[tilespmem:s1+$0xFFFFF390] =	vst v10;
	v9 =	vld.idx.msk [tilespmem:v9+s11+$0x0], $0xffff  }
0x30a: {  	v22 =	vld.idx.msk [tilespmem:v12+s12+$0x0], $0xffff;
	[tilespmem:s1+$0xFFFFF3F0] =	vst v6  }
0x30b: {  	v5 =	vadd.s32 v4, v21;
	v6 =	vadd.s32 v4, v17;
	[tilespmem:s1+$0xFFFFF3E0] =	vst v13;
	v11 =	vld.idx.msk [tilespmem:v15+s12+$0x0], $0xffff  }
.Ltmp18:
0x30c: {  	v12 =	vadd.s32 v4, v8;
	[tilespmem:s1+$0xFFFFF3A0] =	vst v7;
	v10 =	vld.idx.msk [tilespmem:v14+s12+$0x0], $0xffff;
	(pc) =	sbr.rel @p1 .LBB2_40-.Ltmp18, $4  }
0x30d: {  	v7 =	vld.idx.msk [tilespmem:v16+s12+$0x0], $0xffff;
	[tilespmem:s1+$0xFFFFF3D0] =	vst v19  }
0x30e: {  	[tilespmem:s1+$0xFFFFF3B0] =	vst v18;
	v8 =	vld.idx.msk [tilespmem:v20+s12+$0x0], $0xffff  }
0x30f: {  	[tilespmem:s1+$0xFFFFF3C0] =	vst v9;
	v9 =	vld.idx.msk [tilespmem:v23+s11+$0x0], $0xffff  }
0x310: {  	s1 =	sadd.s32 $0x400, s1;
	[tilespmem:s26+$0xFFFFFF90] =	vst v22;
	v6 =	vld.idx.msk [tilespmem:v6+s12+$0x0], $0xffff  }
0x311: {  	_ =	sdelay $0x2  }
0x312: {  	[tilespmem:s26+$0xFFFFFFF0] =	vst v11  }
0x313: {  	v3 =	vld.idx.msk [tilespmem:v12+s12+$0x0], $0xffff;
	[tilespmem:s26+$0xFFFFF400] =	vst v9  }
0x314: {  	[tilespmem:s26+$0xFFFFFFE0] =	vst v10;
	p1 =	slt.u32 s25, $0xC;
	v4 =	vld.idx.msk [tilespmem:v5+s12+$0x0], $0xffff  }
.Ltmp19:
0x315: {  	[tilespmem:s26+$0xFFFFFFA0] =	vst v7;
	(pc) =	sbr.rel @p1 .LBB2_33-.Ltmp19, $4  }
0x316: {  	[tilespmem:s26+$0xFFFFFFD0] =	vst v8  }
0x317: {  	[tilespmem:s26+$0xFFFFFFB0] =	vst v6  }
0x318: {  	s25 =	sadd.s32 $0x4, s25;
	p0 =	por !p0, !p0;
	[tilespmem:s26+$0xFFFFFFC0] =	vst v3  }
0x319: {  	s22 =	sadd.s32 $0x4, s22;
	s24 =	sadd.s32 $0x4, s24;
	s23 =	sadd.s32 $0x2, s23;
	[tilespmem:s26+$0x0] =	vst v4  }
0x31a: {  	s19 =	sadd.s32 $0x1, s19  }
0x31b: {  	s0 =	sor.u32 s4, s21;
	p0 =	sne.s32 s19, $0x20  }
.Ltmp20:
0x31c: {  	s0 =	sshrl.u32 s0, $0x3;
	(pc) =	sbr.rel @p0 .LBB2_2-.Ltmp20, $3  }
0x31d: {  	s0 =	smul.u32 $0x300, s0;
	_ =	sdelay $0x1  }
0x31e: {  	s0 =	sadd.s32 s2, s0  }
0x31f: {  	[hbm4b:s0+s3] =	stream.linear.scatter [tilespmem:s15], [sflag:$0x3], $0x6000, $0x38;
	[tilespmem:$0x12F00] =	vst v63  }
0x320: {  	s18 =	sadd.s32 $0x1, s18  }
0x321: {  	_ =	swait.ge [sflag:s16], $0x6000;
	p0 =	sne.s32 s18, s10  }
.Ltmp21:
0x322: {  	[sflag:s16] =	ssyncset.done $0x0;
	(pc) =	sbr.rel @p0 .LBB2_1-.Ltmp21, $4  }
0x323: {  	[sflag:s16] =	ssyncadd.s32 $0xFFFFA000  }
0x324: {  	_ =	swait.ge [sflag:s17], $0x6000  }
0x325: {  	[sflag:s17] =	ssyncset.done $0x0  }
0x326: {  	[sflag:s17] =	ssyncadd.s32 $0xFFFFA000  }
0x327: {  	_ =	sfence.sel $0x180000  }
0x328: {  	[bflag:$0x0] =	sbarrier.arrive $0xFFFF  }
0x329: {  	_ =	strace $0x90000047  }
0x32a: {  	s0 =	stileid.u32;
	[bflag:$0x2] =	sbarrier.arrive $0xFFFF  }
0x32b: {  	p0 =	sne.s32 s0, $0x0;
	s0 =	rddreg [dreg:$0x2]  }
0x32c: {  	s0 =	sadd.s32 @!p0 $0x100000, s0  }
0x32d: {  	[sflag:s0] =	ssyncadd.tile.s32 @!p0 $0x1;
	_ =	shalt  }
.Lfunc_end2:
_tile_overlayer_lowered:
.L_overlay_start_2:
0x32e: {  	(tag) =	ssettag $0x2  }
0x32f: {  	s0 =	rddreg [dreg:$0x0];
	s2 =	stileid.u32  }
0x330: {  	s1 =	rddreg [dreg:$0x1];
	p0 =	sne.s32 s2, $0x0  }
0x331: {  	s3 =	rddreg [dreg:$0x2];
	[bflag:$0x3] =	sbarrier.arrive $0xFFFF;
	s2 =	simm.s32 @!p0 $0x1C04  }
0x332: {  	[timem:s3], [sflag:s2] =	dma.local @!p0 [hbm:s0], s1  }
0x333: {  	s0 =	simm.s32 @!p0 $0x4  }
0x334: {  	_ =	swait.ge @!p0 [sflag:s0], s1  }
0x335: {  	s1 =	ssub.s32 @!p0 $0x0, s1;
	[sflag:s0] =	ssyncset.done @!p0 $0x0  }
0x336: {  	[sflag:s0] =	ssyncadd.s32 @!p0 s1  }
0x337: {  	[bflag:$0x3] =	sbarrier.arrive $0xFFFF  }
0x338: {  	_ =	shalt  }

</sc_bundles>
